<compile_context>
chip_gen: v7x
topology: tpu7x:2x2x1
jax: 0.10.2.dev20260603
libtpu: 0.0.44.dev20260713+nightly
codegen_flags: <defaults>
</compile_context>

<pallas_src>
import jax
import jax.numpy as jnp
from jax import lax
from jax.experimental import pallas as pl
from jax.experimental.pallas import tpu as pltpu
from jax.experimental.pallas import tpu_sc as plsc

_N, _E, _D = 10000, 320000, 128
_NG, _NCLS = 64, 10
_NP = 10240
_NC, _NS = 2, 16
_NW = _NC * _NS
_CH = 128
_NCHUNK = 79
_EPW = _NCHUNK * _CH
_RPT = _NP // _NS
_RB = 1024
_NBLK = _NP // _RB

_mesh = plsc.VectorSubcoreMesh(core_axis_name="c", subcore_axis_name="s")



_NIDX = _NCHUNK + 3


def _make_sc_body(with_deg):

    def body(*args):
        if with_deg:
            (table, srcs, zrows, zdeg, nsum_out, deg_out,
             src_v, dst_v, rows_v, ones_v, acc_sh, deg_sh, sem) = args
        else:
            (table, srcs, zrows, nsum_out,
             src_v, dst_v, rows_v, acc_sh, sem) = args
        c = lax.axis_index("c")
        s = lax.axis_index("s")
        wid = c * _NS + s
        pltpu.sync_copy(zrows.at[pl.ds(s * _RPT, _RPT)],
                        acc_sh.at[pl.ds(s * _RPT, _RPT)])
        if with_deg:
            pltpu.sync_copy(zdeg.at[pl.ds(s * _RPT, _RPT)],
                            deg_sh.at[pl.ds(s * _RPT, _RPT)])
            for k in range(_CH // 16):
                ones_v[pl.ds(k * 16, 16)] = jnp.full((16,), 1.0, jnp.float32)
        plsc.subcore_barrier()

        def step(j, carry):
            pltpu.sync_copy(srcs.at[wid, j, 0], src_v)
            pltpu.sync_copy(srcs.at[wid, j, 1], dst_v)
            pltpu.async_copy(table.at[dst_v], rows_v, sem).wait()
            pltpu.sync_copy(rows_v, acc_sh.at[src_v], add=True)
            if with_deg:
                pltpu.sync_copy(ones_v, deg_sh.at[src_v], add=True)
            return carry

        lax.fori_loop(0, _NCHUNK, step, 0)
        plsc.subcore_barrier()
        pltpu.sync_copy(acc_sh.at[pl.ds(s * _RPT, _RPT)],
                        nsum_out.at[c, pl.ds(s * _RPT, _RPT)])
        if with_deg:
            pltpu.sync_copy(deg_sh.at[pl.ds(s * _RPT, _RPT)],
                            deg_out.at[c, pl.ds(s * _RPT, _RPT)])

    return body


_seg_deg = pl.kernel(
    _make_sc_body(True),
    out_type=[jax.ShapeDtypeStruct((_NC, _NP, _D), jnp.float32),
              jax.ShapeDtypeStruct((_NC, _NP), jnp.float32)],
    mesh=_mesh,
    scratch_types=[pltpu.VMEM((_CH,), jnp.int32),
                   pltpu.VMEM((_CH,), jnp.int32),
                   pltpu.VMEM((_CH, _D), jnp.float32),
                   pltpu.VMEM((_CH,), jnp.float32),
                   pltpu.VMEM_SHARED((_NP, _D), jnp.float32),
                   pltpu.VMEM_SHARED((_NP,), jnp.float32),
                   pltpu.SemaphoreType.DMA],
)

_seg = pl.kernel(
    _make_sc_body(False),
    out_type=[jax.ShapeDtypeStruct((_NC, _NP, _D), jnp.float32)],
    mesh=_mesh,
    scratch_types=[pltpu.VMEM((_CH,), jnp.int32),
                   pltpu.VMEM((_CH,), jnp.int32),
                   pltpu.VMEM((_CH, _D), jnp.float32),
                   pltpu.VMEM_SHARED((_NP, _D), jnp.float32),
                   pltpu.SemaphoreType.DMA],
)



_DN_NT = (((1,), (1,)), ((), ()))
_DN_NN = (((1,), (0,)), ((), ()))


def _mm3_body(x_ref, wg_ref, wl_ref, ws_ref, hg_ref, hl_ref, hs_ref):
    xb = x_ref[...]
    hg_ref[...] = lax.dot_general(xb, wg_ref[...], _DN_NT,
                                  preferred_element_type=jnp.float32)
    hl_ref[...] = lax.dot_general(xb, wl_ref[...], _DN_NT,
                                  preferred_element_type=jnp.float32)
    hs_ref[...] = lax.dot_general(xb, ws_ref[...], _DN_NT,
                                  preferred_element_type=jnp.float32)


_mm3 = pl.pallas_call(
    _mm3_body,
    grid=(_NBLK,),
    in_specs=[pl.BlockSpec((_RB, _D), lambda i: (i, 0)),
              pl.BlockSpec((_D, _D), lambda i: (0, 0)),
              pl.BlockSpec((_D, _D), lambda i: (0, 0)),
              pl.BlockSpec((_D, _D), lambda i: (0, 0))],
    out_specs=[pl.BlockSpec((_RB, _D), lambda i: (i, 0))] * 3,
    out_shape=[jax.ShapeDtypeStruct((_NP, _D), jnp.float32)] * 3,
)


def _layer_epilogue(hg_ref, hs_ref, nsump_ref, degp_ref, b_ref):
    ns = nsump_ref[...]
    nsum = ns[0] + ns[1]
    dp = degp_ref[...]
    deg = dp[0] + dp[1]
    inv = 1.0 / jnp.maximum(deg, 1.0)
    mask = (deg > 0.0).astype(jnp.float32)
    pre = hg_ref[...] + b_ref[...] + mask * (nsum * inv + hs_ref[...])
    return jnp.where(pre > 0.0, pre, jnp.exp(jnp.minimum(pre, 0.0)) - 1.0)


def _post_mm3_body(hg_ref, hs_ref, nsump_ref, degp_ref, b_ref,
                   wg_ref, wl_ref, ws_ref, hg2_ref, hl2_ref, hs2_ref):
    h1 = _layer_epilogue(hg_ref, hs_ref, nsump_ref, degp_ref, b_ref)
    hg2_ref[...] = lax.dot_general(h1, wg_ref[...], _DN_NT,
                                   preferred_element_type=jnp.float32)
    hl2_ref[...] = lax.dot_general(h1, wl_ref[...], _DN_NT,
                                   preferred_element_type=jnp.float32)
    hs2_ref[...] = lax.dot_general(h1, ws_ref[...], _DN_NT,
                                   preferred_element_type=jnp.float32)


_post_mm3 = pl.pallas_call(
    _post_mm3_body,
    grid=(_NBLK,),
    in_specs=[pl.BlockSpec((_RB, _D), lambda i: (i, 0)),
              pl.BlockSpec((_RB, _D), lambda i: (i, 0)),
              pl.BlockSpec((_NC, _RB, _D), lambda i: (0, i, 0)),
              pl.BlockSpec((_NC, _RB, 1), lambda i: (0, i, 0)),
              pl.BlockSpec((1, _D), lambda i: (0, 0)),
              pl.BlockSpec((_D, _D), lambda i: (0, 0)),
              pl.BlockSpec((_D, _D), lambda i: (0, 0)),
              pl.BlockSpec((_D, _D), lambda i: (0, 0))],
    out_specs=[pl.BlockSpec((_RB, _D), lambda i: (i, 0))] * 3,
    out_shape=[jax.ShapeDtypeStruct((_NP, _D), jnp.float32)] * 3,
)


def _final_body(hg_ref, hs_ref, nsump_ref, degp_ref, b_ref, batch_ref,
                wc_ref, bc_ref, out_ref, sums_s, cnts_s):
    i = pl.program_id(0)

    @pl.when(i == 0)
    def _():
        sums_s[...] = jnp.zeros_like(sums_s)
        cnts_s[...] = jnp.zeros_like(cnts_s)

    h2 = _layer_epilogue(hg_ref, hs_ref, nsump_ref, degp_ref, b_ref)
    bvec = batch_ref[...][0]
    oh = (lax.broadcasted_iota(jnp.int32, (_NG, _RB), 0)
          == jnp.broadcast_to(bvec, (_NG, _RB))).astype(jnp.float32)
    sums_s[...] += lax.dot_general(oh, h2, _DN_NN,
                                   preferred_element_type=jnp.float32)
    cnts_s[...] += jnp.broadcast_to(
        jnp.sum(oh, axis=1, keepdims=True), (_NG, _D))

    @pl.when(i == _NBLK - 1)
    def _():
        g = sums_s[...] / jnp.maximum(cnts_s[...], 1.0)
        out_ref[...] = lax.dot_general(g, wc_ref[...], _DN_NT,
                                       preferred_element_type=jnp.float32) \
            + bc_ref[...]


_final = pl.pallas_call(
    _final_body,
    grid=(_NBLK,),
    in_specs=[pl.BlockSpec((_RB, _D), lambda i: (i, 0)),
              pl.BlockSpec((_RB, _D), lambda i: (i, 0)),
              pl.BlockSpec((_NC, _RB, _D), lambda i: (0, i, 0)),
              pl.BlockSpec((_NC, _RB, 1), lambda i: (0, i, 0)),
              pl.BlockSpec((1, _D), lambda i: (0, 0)),
              pl.BlockSpec((1, 1, _RB), lambda i: (i, 0, 0)),
              pl.BlockSpec((_NCLS, _D), lambda i: (0, 0)),
              pl.BlockSpec((1, _NCLS), lambda i: (0, 0))],
    out_specs=pl.BlockSpec((_NG, _NCLS), lambda i: (0, 0)),
    out_shape=jax.ShapeDtypeStruct((_NG, _NCLS), jnp.float32),
    scratch_shapes=[pltpu.VMEM((_NG, _D), jnp.float32),
                    pltpu.VMEM((_NG, _D), jnp.float32)],
)


def kernel(x, edge_index, batch, Wg1, Wl1, Ws1, b1, Wg2, Wl2, Ws2, b2, Wc, bc):
    src = edge_index[0].astype(jnp.int32)
    dst = edge_index[1].astype(jnp.int32)
    pad = _NW * _EPW - _E
    srcp = jnp.concatenate(
        [src, jnp.full((pad,), _N, jnp.int32)]).reshape(_NW, _NCHUNK, _CH)
    dstp = jnp.concatenate(
        [dst, jnp.zeros((pad,), jnp.int32)]).reshape(_NW, _NCHUNK, _CH)
    xp = jnp.pad(x, ((0, _NP - _N), (0, 0)))
    batchp = jnp.concatenate(
        [batch.astype(jnp.int32),
         jnp.full((_NP - _N,), _NG, jnp.int32)]).reshape(_NBLK, 1, _RB)
    zrows = jnp.zeros((_NP, _D), jnp.float32)
    zdeg = jnp.zeros((_NP,), jnp.float32)
    b1r = b1.reshape(1, _D)
    b2r = b2.reshape(1, _D)
    bcr = bc.reshape(1, _NCLS)

    hg1, hl1, hs1 = _mm3(xp, Wg1, Wl1, Ws1)
    edges = jnp.stack([srcp, dstp], axis=2)
    nsum1, degp = _seg_deg(hl1, edges, zrows, zdeg)
    degp3 = degp.reshape(_NC, _NP, 1)
    hg2, hl2, hs2 = _post_mm3(hg1, hs1, nsum1, degp3, b1r, Wg2, Wl2, Ws2)
    (nsum2,) = _seg(hl2, edges, zrows)
    return _final(hg2, hs2, nsum2, degp3, b2r, batchp, Wc, bcr)

# --- scband reference (transcript-rebuilt; emitter-appended) ---
"""Pipeline reference for scband-demonet-weight-graph-3083786518800 (READ-ONLY COPY).

The authoritative reference and input builder live on the scoring server;
editing this copy changes nothing except your own understanding.
"""

import jax, jax.numpy as jnp
import numpy as np

N, E, D_IN, D_H, N_CLS, N_GRAPHS = 10000, 320000, 128, 128, 10, 64


def setup_inputs(seed: int = 0) -> dict:
    key = jax.random.key(seed)
    ks = jax.random.split(key, 16)
    x = jax.random.normal(ks[0], (N, D_IN), dtype=jnp.float32)
    src = jax.random.randint(ks[1], (E,), 0, N)
    dst = jax.random.randint(ks[2], (E,), 0, N)
    edge_index = jnp.stack([src, dst], axis=0)
    batch = jnp.sort(jax.random.randint(ks[3], (N,), 0, N_GRAPHS))
    s = 0.05
    Wg1 = jax.random.normal(ks[4], (D_H, D_IN), dtype=jnp.float32) * s
    Wl1 = jax.random.normal(ks[5], (D_H, D_IN), dtype=jnp.float32) * s
    Ws1 = jax.random.normal(ks[6], (D_H, D_IN), dtype=jnp.float32) * s
    b1 = jnp.zeros((D_H,), dtype=jnp.float32)
    Wg2 = jax.random.normal(ks[7], (D_H, D_H), dtype=jnp.float32) * s
    Wl2 = jax.random.normal(ks[8], (D_H, D_H), dtype=jnp.float32) * s
    Ws2 = jax.random.normal(ks[9], (D_H, D_H), dtype=jnp.float32) * s
    b2 = jnp.zeros((D_H,), dtype=jnp.float32)
    Wc = jax.random.normal(ks[10], (N_CLS, D_H), dtype=jnp.float32) * s
    bc = jnp.zeros((N_CLS,), dtype=jnp.float32)
    return {"x": x, "edge_index": edge_index, "batch": batch,
            "Wg1": Wg1, "Wl1": Wl1, "Ws1": Ws1, "b1": b1,
            "Wg2": Wg2, "Wl2": Wl2, "Ws2": Ws2, "b2": b2,
            "Wc": Wc, "bc": bc}


def _demo_layer(h, edge_index, Wg, Wl, Ws, b):
    n = h.shape[0]
    src = edge_index[0]
    dst = edge_index[1]
    # degree per node (number of outgoing edges); DEMO-Net buckets nodes by degree,
    # and for every node its flat neighbor list has exactly deg entries, so the
    # per-bucket mean over neighbors is equivalent to a segment-mean over src.
    deg = jnp.bincount(src, length=n)
    global_out = h @ Wg.T
    neigh_sum = jax.ops.segment_sum(h[dst], src, num_segments=n)
    neigh_mean = neigh_sum / jnp.maximum(deg, 1).astype(h.dtype)[:, None]
    local_out = neigh_mean @ Wl.T
    self_out = h @ Ws.T
    combined = local_out + self_out + global_out
    # degree-0 bucket: group_out = global_out only
    out_all = jnp.where((deg > 0)[:, None], combined, global_out)
    out_all = out_all + b
    # dropout is identity in eval mode
    return jax.nn.elu(out_all)


def reference(x, edge_index, batch, Wg1, Wl1, Ws1, b1, Wg2, Wl2, Ws2, b2, Wc, bc):
    h = _demo_layer(x, edge_index, Wg1, Wl1, Ws1, b1)
    h = _demo_layer(h, edge_index, Wg2, Wl2, Ws2, b2)
    # global mean pool over graphs in the batch
    sums = jax.ops.segment_sum(h, batch, num_segments=N_GRAPHS)
    counts = jax.ops.segment_sum(jnp.ones((h.shape[0],), dtype=h.dtype), batch, num_segments=N_GRAPHS)
    g = sums / jnp.maximum(counts, 1.0)[:, None]
    # dropout identity in eval mode
    return g @ Wc.T + bc

if __name__ == "__main__":
    import jax
    _d = setup_inputs()
    print(jax.jit(kernel)(*tuple(_d.values())))

</pallas_src>

<mosaic_0001>
#map = affine_map<(d0, d1) -> (0, 0)>
#map1 = affine_map<(d0, d1) -> (0, 0, 0, 0)>
#map2 = affine_map<(d0, d1) -> (0)>
#map3 = affine_map<(d0, d1) -> (0, 0, 0)>
module attributes {stable_mosaic.version = 14 : i64} {
  func.func @body(%arg0: i32, %arg1: i32, %arg2: memref<10240x128xf32, #tpu.memory_space<hbm>>, %arg3: memref<32x79x2x128xi32, #tpu.memory_space<hbm>>, %arg4: memref<10240x128xf32, #tpu.memory_space<hbm>>, %arg5: memref<10240xf32, #tpu.memory_space<hbm>>, %arg6: memref<2x10240x128xf32, #tpu.memory_space<hbm>>, %arg7: memref<2x10240xf32, #tpu.memory_space<hbm>>, %arg8: memref<128xi32, #tpu.memory_space<vmem>>, %arg9: memref<128xi32, #tpu.memory_space<vmem>>, %arg10: memref<128x128xf32, #tpu.memory_space<vmem>>, %arg11: memref<128xf32, #tpu.memory_space<vmem>>, %arg12: memref<10240x128xf32, #tpu.memory_space<vmem_shared>>, %arg13: memref<10240xf32, #tpu.memory_space<vmem_shared>>, %arg14: memref<!tpu.dma_semaphore, #tpu.memory_space<semaphore_mem>>) attributes {dimension_semantics = [#tpu.dimension_semantics<core_parallel>, #tpu.dimension_semantics<subcore_parallel>], iteration_bounds = array<i64: 2, 16>, scalar_prefetch = 0 : i64, scratch_operands = 7 : i64, tpu.core_type = #tpu.core_type<sc_vector_subcore>, window_params = [{transform_indices = #map}, {transform_indices = #map1}, {transform_indices = #map}, {transform_indices = #map2}, {transform_indices = #map3}, {transform_indices = #map}]} {
    %mul3A = arith.constant 16 : i32
    %mul3A_0 = arith.muli %arg0, %mul3A : i32
    %add3A = arith.addi %mul3A_0, %arg1 : i32
    %mul3A_1 = arith.constant 640 : i32
    %mul3A_2 = arith.muli %arg1, %mul3A_1 : i32
    %mul3A_3 = arith.constant 640 : i32
    %mul3A_4 = arith.muli %arg1, %mul3A_3 : i32
    "tpu.region"() ({
      %run_scoped3A = tpu.sem_alloc : memref<!tpu.dma_semaphore, #tpu.memory_space<semaphore_mem>>
      %dma_start3A = arith.constant 0 : i32
      %dma_start3A_69 = tpu.memref_slice %arg12[%mul3A_4, %dma_start3A] : memref<10240x128xf32, #tpu.memory_space<vmem_shared>> -> memref<640x128xf32, #tpu.memory_space<vmem_shared>>
      %dma_start3A_70 = arith.constant 0 : i32
      %dma_start3A_71 = tpu.memref_slice %arg4[%mul3A_2, %dma_start3A_70] : memref<10240x128xf32, #tpu.memory_space<hbm>> -> memref<640x128xf32, #tpu.memory_space<hbm>>
      tpu.enqueue_dma source(%dma_start3A_71 : memref<640x128xf32, #tpu.memory_space<hbm>>) target(%dma_start3A_69 : memref<640x128xf32, #tpu.memory_space<vmem_shared>>) target_semaphore(%run_scoped3A : memref<!tpu.dma_semaphore, #tpu.memory_space<semaphore_mem>>)
      %dma_wait3A = arith.constant 0 : i32
      %dma_wait3A_72 = tpu.memref_slice %arg12[%mul3A_4, %dma_wait3A] : memref<10240x128xf32, #tpu.memory_space<vmem_shared>> -> memref<640x128xf32, #tpu.memory_space<vmem_shared>>
      %dma_wait3A_73 = arith.constant 0 : i32
      %dma_wait3A_74 = tpu.memref_slice %arg4[%mul3A_2, %dma_wait3A_73] : memref<10240x128xf32, #tpu.memory_space<hbm>> -> memref<640x128xf32, #tpu.memory_space<hbm>>
      tpu.wait_dma2 semaphore(%run_scoped3A : memref<!tpu.dma_semaphore, #tpu.memory_space<semaphore_mem>>) src(%dma_wait3A_74 : memref<640x128xf32, #tpu.memory_space<hbm>>) dst(%dma_wait3A_72 : memref<640x128xf32, #tpu.memory_space<vmem_shared>>)
      tpu.yield
    }) : () -> ()
    %mul3A_5 = arith.constant 640 : i32
    %mul3A_6 = arith.muli %arg1, %mul3A_5 : i32
    %mul3A_7 = arith.constant 640 : i32
    %mul3A_8 = arith.muli %arg1, %mul3A_7 : i32
    "tpu.region"() ({
      %run_scoped3A = tpu.sem_alloc : memref<!tpu.dma_semaphore, #tpu.memory_space<semaphore_mem>>
      %dma_start3A = tpu.memref_slice %arg13[%mul3A_8] : memref<10240xf32, #tpu.memory_space<vmem_shared>> -> memref<640xf32, #tpu.memory_space<vmem_shared>>
      %dma_start3A_69 = tpu.memref_slice %arg5[%mul3A_6] : memref<10240xf32, #tpu.memory_space<hbm>> -> memref<640xf32, #tpu.memory_space<hbm>>
      tpu.enqueue_dma source(%dma_start3A_69 : memref<640xf32, #tpu.memory_space<hbm>>) target(%dma_start3A : memref<640xf32, #tpu.memory_space<vmem_shared>>) target_semaphore(%run_scoped3A : memref<!tpu.dma_semaphore, #tpu.memory_space<semaphore_mem>>)
      %dma_wait3A = tpu.memref_slice %arg13[%mul3A_8] : memref<10240xf32, #tpu.memory_space<vmem_shared>> -> memref<640xf32, #tpu.memory_space<vmem_shared>>
      %dma_wait3A_70 = tpu.memref_slice %arg5[%mul3A_6] : memref<10240xf32, #tpu.memory_space<hbm>> -> memref<640xf32, #tpu.memory_space<hbm>>
      tpu.wait_dma2 semaphore(%run_scoped3A : memref<!tpu.dma_semaphore, #tpu.memory_space<semaphore_mem>>) src(%dma_wait3A_70 : memref<640xf32, #tpu.memory_space<hbm>>) dst(%dma_wait3A : memref<640xf32, #tpu.memory_space<vmem_shared>>)
      tpu.yield
    }) : () -> ()
    %broadcast_in_dim3A = arith.constant 1.000000e+00 : f32
    %broadcast_in_dim3A_9 = vector.broadcast %broadcast_in_dim3A : f32 to vector<16xf32>
    %swap3A = arith.constant 0 : index
    %swap3A_10 = tpu.vector_load %arg11[%swap3A] {strides = array<i32>} : memref<128xf32, #tpu.memory_space<vmem>>, vector<16xf32>,
    %swap3A_11 = vector.shape_cast %swap3A_10 : vector<16xf32> to vector<16xf32>
    %swap3A_12 = vector.shape_cast %broadcast_in_dim3A_9 : vector<16xf32> to vector<16xf32>
    tpu.vector_store %arg11[%swap3A], %swap3A_12 {strides = array<i32>} : memref<128xf32, #tpu.memory_space<vmem>>, vector<16xf32>,
    %broadcast_in_dim3A_13 = arith.constant 1.000000e+00 : f32
    %broadcast_in_dim3A_14 = vector.broadcast %broadcast_in_dim3A_13 : f32 to vector<16xf32>
    %swap3A_15 = arith.constant 16 : index
    %swap3A_16 = tpu.vector_load %arg11[%swap3A_15] {strides = array<i32>} : memref<128xf32, #tpu.memory_space<vmem>>, vector<16xf32>,
    %swap3A_17 = vector.shape_cast %swap3A_16 : vector<16xf32> to vector<16xf32>
    %swap3A_18 = vector.shape_cast %broadcast_in_dim3A_14 : vector<16xf32> to vector<16xf32>
    tpu.vector_store %arg11[%swap3A_15], %swap3A_18 {strides = array<i32>} : memref<128xf32, #tpu.memory_space<vmem>>, vector<16xf32>,
    %broadcast_in_dim3A_19 = arith.constant 1.000000e+00 : f32
    %broadcast_in_dim3A_20 = vector.broadcast %broadcast_in_dim3A_19 : f32 to vector<16xf32>
    %swap3A_21 = arith.constant 32 : index
    %swap3A_22 = tpu.vector_load %arg11[%swap3A_21] {strides = array<i32>} : memref<128xf32, #tpu.memory_space<vmem>>, vector<16xf32>,
    %swap3A_23 = vector.shape_cast %swap3A_22 : vector<16xf32> to vector<16xf32>
    %swap3A_24 = vector.shape_cast %broadcast_in_dim3A_20 : vector<16xf32> to vector<16xf32>
    tpu.vector_store %arg11[%swap3A_21], %swap3A_24 {strides = array<i32>} : memref<128xf32, #tpu.memory_space<vmem>>, vector<16xf32>,
    %broadcast_in_dim3A_25 = arith.constant 1.000000e+00 : f32
    %broadcast_in_dim3A_26 = vector.broadcast %broadcast_in_dim3A_25 : f32 to vector<16xf32>
    %swap3A_27 = arith.constant 48 : index
    %swap3A_28 = tpu.vector_load %arg11[%swap3A_27] {strides = array<i32>} : memref<128xf32, #tpu.memory_space<vmem>>, vector<16xf32>,
    %swap3A_29 = vector.shape_cast %swap3A_28 : vector<16xf32> to vector<16xf32>
    %swap3A_30 = vector.shape_cast %broadcast_in_dim3A_26 : vector<16xf32> to vector<16xf32>
    tpu.vector_store %arg11[%swap3A_27], %swap3A_30 {strides = array<i32>} : memref<128xf32, #tpu.memory_space<vmem>>, vector<16xf32>,
    %broadcast_in_dim3A_31 = arith.constant 1.000000e+00 : f32
    %broadcast_in_dim3A_32 = vector.broadcast %broadcast_in_dim3A_31 : f32 to vector<16xf32>
    %swap3A_33 = arith.constant 64 : index
    %swap3A_34 = tpu.vector_load %arg11[%swap3A_33] {strides = array<i32>} : memref<128xf32, #tpu.memory_space<vmem>>, vector<16xf32>,
    %swap3A_35 = vector.shape_cast %swap3A_34 : vector<16xf32> to vector<16xf32>
    %swap3A_36 = vector.shape_cast %broadcast_in_dim3A_32 : vector<16xf32> to vector<16xf32>
    tpu.vector_store %arg11[%swap3A_33], %swap3A_36 {strides = array<i32>} : memref<128xf32, #tpu.memory_space<vmem>>, vector<16xf32>,
    %broadcast_in_dim3A_37 = arith.constant 1.000000e+00 : f32
    %broadcast_in_dim3A_38 = vector.broadcast %broadcast_in_dim3A_37 : f32 to vector<16xf32>
    %swap3A_39 = arith.constant 80 : index
    %swap3A_40 = tpu.vector_load %arg11[%swap3A_39] {strides = array<i32>} : memref<128xf32, #tpu.memory_space<vmem>>, vector<16xf32>,
    %swap3A_41 = vector.shape_cast %swap3A_40 : vector<16xf32> to vector<16xf32>
    %swap3A_42 = vector.shape_cast %broadcast_in_dim3A_38 : vector<16xf32> to vector<16xf32>
    tpu.vector_store %arg11[%swap3A_39], %swap3A_42 {strides = array<i32>} : memref<128xf32, #tpu.memory_space<vmem>>, vector<16xf32>,
    %broadcast_in_dim3A_43 = arith.constant 1.000000e+00 : f32
    %broadcast_in_dim3A_44 = vector.broadcast %broadcast_in_dim3A_43 : f32 to vector<16xf32>
    %swap3A_45 = arith.constant 96 : index
    %swap3A_46 = tpu.vector_load %arg11[%swap3A_45] {strides = array<i32>} : memref<128xf32, #tpu.memory_space<vmem>>, vector<16xf32>,
    %swap3A_47 = vector.shape_cast %swap3A_46 : vector<16xf32> to vector<16xf32>
    %swap3A_48 = vector.shape_cast %broadcast_in_dim3A_44 : vector<16xf32> to vector<16xf32>
    tpu.vector_store %arg11[%swap3A_45], %swap3A_48 {strides = array<i32>} : memref<128xf32, #tpu.memory_space<vmem>>, vector<16xf32>,
    %broadcast_in_dim3A_49 = arith.constant 1.000000e+00 : f32
    %broadcast_in_dim3A_50 = vector.broadcast %broadcast_in_dim3A_49 : f32 to vector<16xf32>
    %swap3A_51 = arith.constant 112 : index
    %swap3A_52 = tpu.vector_load %arg11[%swap3A_51] {strides = array<i32>} : memref<128xf32, #tpu.memory_space<vmem>>, vector<16xf32>,
    %swap3A_53 = vector.shape_cast %swap3A_52 : vector<16xf32> to vector<16xf32>
    %swap3A_54 = vector.shape_cast %broadcast_in_dim3A_50 : vector<16xf32> to vector<16xf32>
    tpu.vector_store %arg11[%swap3A_51], %swap3A_54 {strides = array<i32>} : memref<128xf32, #tpu.memory_space<vmem>>, vector<16xf32>,
    %barrier3A = arith.constant 0 : index
    tpu.barrier barrier_id(%barrier3A)
    %scan3A = arith.constant 0 : i32
    %scan3A_55 = arith.constant 0 : i32
    %scan3A_56 = arith.constant 79 : i32
    %scan3A_57 = arith.addi %scan3A_55, %scan3A_56 : i32
    %scan3A_58 = arith.constant 1 : i32
    scf.for %scan3A_69 = %scan3A_55 to %scan3A_57 step %scan3A_58  : i32 {
      %run_scoped3A = arith.constant 0 : i32
      "tpu.region"() ({
        %run_scoped3A_75 = tpu.sem_alloc : memref<!tpu.dma_semaphore, #tpu.memory_space<semaphore_mem>>
        %dma_start3A_76 = arith.constant 0 : i32
        %dma_start3A_77 = tpu.memref_slice %arg3[%add3A, %scan3A_69, %run_scoped3A, %dma_start3A_76] : memref<32x79x2x128xi32, #tpu.memory_space<hbm>> -> memref<1x1x1x128xi32, #tpu.memory_space<hbm>>
        %dma_start3A_78 = tpu.memref_squeeze %dma_start3A_77 : memref<1x1x1x128xi32, #tpu.memory_space<hbm>> -> memref<128xi32, #tpu.memory_space<hbm>>
        %dma_start3A_79 = arith.constant 0 : i32
        %dma_start3A_80 = tpu.memref_slice %arg3[%add3A, %scan3A_69, %run_scoped3A, %dma_start3A_79] : memref<32x79x2x128xi32, #tpu.memory_space<hbm>> -> memref<1x1x1x128xi32, #tpu.memory_space<hbm>>
        %dma_start3A_81 = tpu.memref_squeeze %dma_start3A_80 : memref<1x1x1x128xi32, #tpu.memory_space<hbm>> -> memref<128xi32, #tpu.memory_space<hbm>>
        tpu.enqueue_dma source(%dma_start3A_81 : memref<128xi32, #tpu.memory_space<hbm>>) target(%arg8 : memref<128xi32, #tpu.memory_space<vmem>>) target_semaphore(%run_scoped3A_75 : memref<!tpu.dma_semaphore, #tpu.memory_space<semaphore_mem>>)
        %dma_wait3A_82 = arith.constant 0 : i32
        %dma_wait3A_83 = tpu.memref_slice %arg3[%add3A, %scan3A_69, %run_scoped3A, %dma_wait3A_82] : memref<32x79x2x128xi32, #tpu.memory_space<hbm>> -> memref<1x1x1x128xi32, #tpu.memory_space<hbm>>
        %dma_wait3A_84 = tpu.memref_squeeze %dma_wait3A_83 : memref<1x1x1x128xi32, #tpu.memory_space<hbm>> -> memref<128xi32, #tpu.memory_space<hbm>>
        %dma_wait3A_85 = arith.constant 0 : i32
        %dma_wait3A_86 = tpu.memref_slice %arg3[%add3A, %scan3A_69, %run_scoped3A, %dma_wait3A_85] : memref<32x79x2x128xi32, #tpu.memory_space<hbm>> -> memref<1x1x1x128xi32, #tpu.memory_space<hbm>>
        %dma_wait3A_87 = tpu.memref_squeeze %dma_wait3A_86 : memref<1x1x1x128xi32, #tpu.memory_space<hbm>> -> memref<128xi32, #tpu.memory_space<hbm>>
        tpu.wait_dma2 semaphore(%run_scoped3A_75 : memref<!tpu.dma_semaphore, #tpu.memory_space<semaphore_mem>>) src(%dma_wait3A_87 : memref<128xi32, #tpu.memory_space<hbm>>) dst(%arg8 : memref<128xi32, #tpu.memory_space<vmem>>)
        tpu.yield
      }) : () -> ()
      %run_scoped3A_70 = arith.constant 1 : i32
      "tpu.region"() ({
        %run_scoped3A_75 = tpu.sem_alloc : memref<!tpu.dma_semaphore, #tpu.memory_space<semaphore_mem>>
        %dma_start3A_76 = arith.constant 0 : i32
        %dma_start3A_77 = tpu.memref_slice %arg3[%add3A, %scan3A_69, %run_scoped3A_70, %dma_start3A_76] : memref<32x79x2x128xi32, #tpu.memory_space<hbm>> -> memref<1x1x1x128xi32, #tpu.memory_space<hbm>>
        %dma_start3A_78 = tpu.memref_squeeze %dma_start3A_77 : memref<1x1x1x128xi32, #tpu.memory_space<hbm>> -> memref<128xi32, #tpu.memory_space<hbm>>
        %dma_start3A_79 = arith.constant 0 : i32
        %dma_start3A_80 = tpu.memref_slice %arg3[%add3A, %scan3A_69, %run_scoped3A_70, %dma_start3A_79] : memref<32x79x2x128xi32, #tpu.memory_space<hbm>> -> memref<1x1x1x128xi32, #tpu.memory_space<hbm>>
        %dma_start3A_81 = tpu.memref_squeeze %dma_start3A_80 : memref<1x1x1x128xi32, #tpu.memory_space<hbm>> -> memref<128xi32, #tpu.memory_space<hbm>>
        tpu.enqueue_dma source(%dma_start3A_81 : memref<128xi32, #tpu.memory_space<hbm>>) target(%arg9 : memref<128xi32, #tpu.memory_space<vmem>>) target_semaphore(%run_scoped3A_75 : memref<!tpu.dma_semaphore, #tpu.memory_space<semaphore_mem>>)
        %dma_wait3A_82 = arith.constant 0 : i32
        %dma_wait3A_83 = tpu.memref_slice %arg3[%add3A, %scan3A_69, %run_scoped3A_70, %dma_wait3A_82] : memref<32x79x2x128xi32, #tpu.memory_space<hbm>> -> memref<1x1x1x128xi32, #tpu.memory_space<hbm>>
        %dma_wait3A_84 = tpu.memref_squeeze %dma_wait3A_83 : memref<1x1x1x128xi32, #tpu.memory_space<hbm>> -> memref<128xi32, #tpu.memory_space<hbm>>
        %dma_wait3A_85 = arith.constant 0 : i32
        %dma_wait3A_86 = tpu.memref_slice %arg3[%add3A, %scan3A_69, %run_scoped3A_70, %dma_wait3A_85] : memref<32x79x2x128xi32, #tpu.memory_space<hbm>> -> memref<1x1x1x128xi32, #tpu.memory_space<hbm>>
        %dma_wait3A_87 = tpu.memref_squeeze %dma_wait3A_86 : memref<1x1x1x128xi32, #tpu.memory_space<hbm>> -> memref<128xi32, #tpu.memory_space<hbm>>
        tpu.wait_dma2 semaphore(%run_scoped3A_75 : memref<!tpu.dma_semaphore, #tpu.memory_space<semaphore_mem>>) src(%dma_wait3A_87 : memref<128xi32, #tpu.memory_space<hbm>>) dst(%arg9 : memref<128xi32, #tpu.memory_space<vmem>>)
        tpu.yield
      }) : () -> ()
      %dma_start3A = arith.constant 0 : i32
      %dma_start3A_71 = arith.constant 0 : i32
      %dma_start3A_72 = tpu.memref_slice %arg2[%dma_start3A, %dma_start3A_71] : memref<10240x128xf32, #tpu.memory_space<hbm>> -> memref<10240x128xf32, #tpu.memory_space<hbm>>
      tpu.enqueue_indirect_dma source(%dma_start3A_72 : memref<10240x128xf32, #tpu.memory_space<hbm>>) target(%arg10 : memref<128x128xf32, #tpu.memory_space<vmem>>) offsets(%arg9 : memref<128xi32, #tpu.memory_space<vmem>>) semaphore(%arg14 : memref<!tpu.dma_semaphore, #tpu.memory_space<semaphore_mem>>)
      %dma_wait3A = arith.constant 0 : i32
      %dma_wait3A_73 = arith.constant 0 : i32
      %dma_wait3A_74 = tpu.memref_slice %arg2[%dma_wait3A, %dma_wait3A_73] : memref<10240x128xf32, #tpu.memory_space<hbm>> -> memref<10240x128xf32, #tpu.memory_space<hbm>>
      tpu.wait_indirect_dma semaphore(%arg14 : memref<!tpu.dma_semaphore, #tpu.memory_space<semaphore_mem>>) src(%dma_wait3A_74 : memref<10240x128xf32, #tpu.memory_space<hbm>>) dst(%arg10 : memref<128x128xf32, #tpu.memory_space<vmem>>)
      "tpu.region"() ({
        %run_scoped3A_75 = tpu.sem_alloc : memref<!tpu.dma_semaphore, #tpu.memory_space<semaphore_mem>>
        %dma_start3A_76 = arith.constant 0 : i32
        %dma_start3A_77 = arith.constant 0 : i32
        %dma_start3A_78 = tpu.memref_slice %arg12[%dma_start3A_76, %dma_start3A_77] : memref<10240x128xf32, #tpu.memory_space<vmem_shared>> -> memref<10240x128xf32, #tpu.memory_space<vmem_shared>>
        tpu.enqueue_indirect_dma source(%arg10 : memref<128x128xf32, #tpu.memory_space<vmem>>) target(%dma_start3A_78 : memref<10240x128xf32, #tpu.memory_space<vmem_shared>>) offsets(%arg8 : memref<128xi32, #tpu.memory_space<vmem>>) semaphore(%run_scoped3A_75 : memref<!tpu.dma_semaphore, #tpu.memory_space<semaphore_mem>>) {add = true}
        %dma_wait3A_79 = arith.constant 0 : i32
        %dma_wait3A_80 = arith.constant 0 : i32
        %dma_wait3A_81 = tpu.memref_slice %arg12[%dma_wait3A_79, %dma_wait3A_80] : memref<10240x128xf32, #tpu.memory_space<vmem_shared>> -> memref<10240x128xf32, #tpu.memory_space<vmem_shared>>
        tpu.wait_indirect_dma semaphore(%run_scoped3A_75 : memref<!tpu.dma_semaphore, #tpu.memory_space<semaphore_mem>>) src(%arg10 : memref<128x128xf32, #tpu.memory_space<vmem>>) dst(%dma_wait3A_81 : memref<10240x128xf32, #tpu.memory_space<vmem_shared>>)
        tpu.yield
      }) : () -> ()
      "tpu.region"() ({
        %run_scoped3A_75 = tpu.sem_alloc : memref<!tpu.dma_semaphore, #tpu.memory_space<semaphore_mem>>
        %dma_start3A_76 = arith.constant 0 : i32
        %dma_start3A_77 = tpu.memref_slice %arg13[%dma_start3A_76] : memref<10240xf32, #tpu.memory_space<vmem_shared>> -> memref<10240xf32, #tpu.memory_space<vmem_shared>>
        tpu.enqueue_indirect_dma source(%arg11 : memref<128xf32, #tpu.memory_space<vmem>>) target(%dma_start3A_77 : memref<10240xf32, #tpu.memory_space<vmem_shared>>) offsets(%arg8 : memref<128xi32, #tpu.memory_space<vmem>>) semaphore(%run_scoped3A_75 : memref<!tpu.dma_semaphore, #tpu.memory_space<semaphore_mem>>) {add = true}
        %dma_wait3A_78 = arith.constant 0 : i32
        %dma_wait3A_79 = tpu.memref_slice %arg13[%dma_wait3A_78] : memref<10240xf32, #tpu.memory_space<vmem_shared>> -> memref<10240xf32, #tpu.memory_space<vmem_shared>>
        tpu.wait_indirect_dma semaphore(%run_scoped3A_75 : memref<!tpu.dma_semaphore, #tpu.memory_space<semaphore_mem>>) src(%arg11 : memref<128xf32, #tpu.memory_space<vmem>>) dst(%dma_wait3A_79 : memref<10240xf32, #tpu.memory_space<vmem_shared>>)
        tpu.yield
      }) : () -> ()
    }
    %scan3A_59 = arith.constant 79 : i32
    %barrier3A_60 = arith.constant 0 : index
    tpu.barrier barrier_id(%barrier3A_60)
    %mul3A_61 = arith.constant 640 : i32
    %mul3A_62 = arith.muli %arg1, %mul3A_61 : i32
    %mul3A_63 = arith.constant 640 : i32
    %mul3A_64 = arith.muli %arg1, %mul3A_63 : i32
    "tpu.region"() ({
      %run_scoped3A = tpu.sem_alloc : memref<!tpu.dma_semaphore, #tpu.memory_space<semaphore_mem>>
      %dma_start3A = arith.constant 0 : i32
      %dma_start3A_69 = tpu.memref_slice %arg6[%arg0, %mul3A_64, %dma_start3A] : memref<2x10240x128xf32, #tpu.memory_space<hbm>> -> memref<1x640x128xf32, #tpu.memory_space<hbm>>
      %dma_start3A_70 = tpu.memref_squeeze %dma_start3A_69 : memref<1x640x128xf32, #tpu.memory_space<hbm>> -> memref<640x128xf32, #tpu.memory_space<hbm>>
      %dma_start3A_71 = arith.constant 0 : i32
      %dma_start3A_72 = tpu.memref_slice %arg12[%mul3A_62, %dma_start3A_71] : memref<10240x128xf32, #tpu.memory_space<vmem_shared>> -> memref<640x128xf32, #tpu.memory_space<vmem_shared>>
      tpu.enqueue_dma source(%dma_start3A_72 : memref<640x128xf32, #tpu.memory_space<vmem_shared>>) target(%dma_start3A_70 : memref<640x128xf32, #tpu.memory_space<hbm>>) target_semaphore(%run_scoped3A : memref<!tpu.dma_semaphore, #tpu.memory_space<semaphore_mem>>)
      %dma_wait3A = arith.constant 0 : i32
      %dma_wait3A_73 = tpu.memref_slice %arg6[%arg0, %mul3A_64, %dma_wait3A] : memref<2x10240x128xf32, #tpu.memory_space<hbm>> -> memref<1x640x128xf32, #tpu.memory_space<hbm>>
      %dma_wait3A_74 = tpu.memref_squeeze %dma_wait3A_73 : memref<1x640x128xf32, #tpu.memory_space<hbm>> -> memref<640x128xf32, #tpu.memory_space<hbm>>
      %dma_wait3A_75 = arith.constant 0 : i32
      %dma_wait3A_76 = tpu.memref_slice %arg12[%mul3A_62, %dma_wait3A_75] : memref<10240x128xf32, #tpu.memory_space<vmem_shared>> -> memref<640x128xf32, #tpu.memory_space<vmem_shared>>
      tpu.wait_dma2 semaphore(%run_scoped3A : memref<!tpu.dma_semaphore, #tpu.memory_space<semaphore_mem>>) src(%dma_wait3A_76 : memref<640x128xf32, #tpu.memory_space<vmem_shared>>) dst(%dma_wait3A_74 : memref<640x128xf32, #tpu.memory_space<hbm>>)
      tpu.yield
    }) : () -> ()
    %mul3A_65 = arith.constant 640 : i32
    %mul3A_66 = arith.muli %arg1, %mul3A_65 : i32
    %mul3A_67 = arith.constant 640 : i32
    %mul3A_68 = arith.muli %arg1, %mul3A_67 : i32
    "tpu.region"() ({
      %run_scoped3A = tpu.sem_alloc : memref<!tpu.dma_semaphore, #tpu.memory_space<semaphore_mem>>
      %dma_start3A = tpu.memref_slice %arg7[%arg0, %mul3A_68] : memref<2x10240xf32, #tpu.memory_space<hbm>> -> memref<1x640xf32, #tpu.memory_space<hbm>>
      %dma_start3A_69 = tpu.memref_squeeze %dma_start3A : memref<1x640xf32, #tpu.memory_space<hbm>> -> memref<640xf32, #tpu.memory_space<hbm>>
      %dma_start3A_70 = tpu.memref_slice %arg13[%mul3A_66] : memref<10240xf32, #tpu.memory_space<vmem_shared>> -> memref<640xf32, #tpu.memory_space<vmem_shared>>
      tpu.enqueue_dma source(%dma_start3A_70 : memref<640xf32, #tpu.memory_space<vmem_shared>>) target(%dma_start3A_69 : memref<640xf32, #tpu.memory_space<hbm>>) target_semaphore(%run_scoped3A : memref<!tpu.dma_semaphore, #tpu.memory_space<semaphore_mem>>)
      %dma_wait3A = tpu.memref_slice %arg7[%arg0, %mul3A_68] : memref<2x10240xf32, #tpu.memory_space<hbm>> -> memref<1x640xf32, #tpu.memory_space<hbm>>
      %dma_wait3A_71 = tpu.memref_squeeze %dma_wait3A : memref<1x640xf32, #tpu.memory_space<hbm>> -> memref<640xf32, #tpu.memory_space<hbm>>
      %dma_wait3A_72 = tpu.memref_slice %arg13[%mul3A_66] : memref<10240xf32, #tpu.memory_space<vmem_shared>> -> memref<640xf32, #tpu.memory_space<vmem_shared>>
      tpu.wait_dma2 semaphore(%run_scoped3A : memref<!tpu.dma_semaphore, #tpu.memory_space<semaphore_mem>>) src(%dma_wait3A_72 : memref<640xf32, #tpu.memory_space<vmem_shared>>) dst(%dma_wait3A_71 : memref<640xf32, #tpu.memory_space<hbm>>)
      tpu.yield
    }) : () -> ()
    return
  }
}

#map = affine_map<(d0, d1) -> (0, 0)>
#map1 = affine_map<(d0, d1) -> (0, 0, 0, 0)>
#map2 = affine_map<(d0, d1) -> (0, 0, 0)>
module attributes {stable_mosaic.version = 14 : i64} {
  func.func @body(%arg0: i32, %arg1: i32, %arg2: memref<10240x128xf32, #tpu.memory_space<hbm>>, %arg3: memref<32x79x2x128xi32, #tpu.memory_space<hbm>>, %arg4: memref<10240x128xf32, #tpu.memory_space<hbm>>, %arg5: memref<2x10240x128xf32, #tpu.memory_space<hbm>>, %arg6: memref<128xi32, #tpu.memory_space<vmem>>, %arg7: memref<128xi32, #tpu.memory_space<vmem>>, %arg8: memref<128x128xf32, #tpu.memory_space<vmem>>, %arg9: memref<10240x128xf32, #tpu.memory_space<vmem_shared>>, %arg10: memref<!tpu.dma_semaphore, #tpu.memory_space<semaphore_mem>>) attributes {dimension_semantics = [#tpu.dimension_semantics<core_parallel>, #tpu.dimension_semantics<subcore_parallel>], iteration_bounds = array<i64: 2, 16>, scalar_prefetch = 0 : i64, scratch_operands = 5 : i64, tpu.core_type = #tpu.core_type<sc_vector_subcore>, window_params = [{transform_indices = #map}, {transform_indices = #map1}, {transform_indices = #map}, {transform_indices = #map2}]} {
    %mul3A = arith.constant 16 : i32
    %mul3A_0 = arith.muli %arg0, %mul3A : i32
    %add3A = arith.addi %mul3A_0, %arg1 : i32
    %mul3A_1 = arith.constant 640 : i32
    %mul3A_2 = arith.muli %arg1, %mul3A_1 : i32
    %mul3A_3 = arith.constant 640 : i32
    %mul3A_4 = arith.muli %arg1, %mul3A_3 : i32
    "tpu.region"() ({
      %run_scoped3A = tpu.sem_alloc : memref<!tpu.dma_semaphore, #tpu.memory_space<semaphore_mem>>
      %dma_start3A = arith.constant 0 : i32
      %dma_start3A_15 = tpu.memref_slice %arg9[%mul3A_4, %dma_start3A] : memref<10240x128xf32, #tpu.memory_space<vmem_shared>> -> memref<640x128xf32, #tpu.memory_space<vmem_shared>>
      %dma_start3A_16 = arith.constant 0 : i32
      %dma_start3A_17 = tpu.memref_slice %arg4[%mul3A_2, %dma_start3A_16] : memref<10240x128xf32, #tpu.memory_space<hbm>> -> memref<640x128xf32, #tpu.memory_space<hbm>>
      tpu.enqueue_dma source(%dma_start3A_17 : memref<640x128xf32, #tpu.memory_space<hbm>>) target(%dma_start3A_15 : memref<640x128xf32, #tpu.memory_space<vmem_shared>>) target_semaphore(%run_scoped3A : memref<!tpu.dma_semaphore, #tpu.memory_space<semaphore_mem>>)
      %dma_wait3A = arith.constant 0 : i32
      %dma_wait3A_18 = tpu.memref_slice %arg9[%mul3A_4, %dma_wait3A] : memref<10240x128xf32, #tpu.memory_space<vmem_shared>> -> memref<640x128xf32, #tpu.memory_space<vmem_shared>>
      %dma_wait3A_19 = arith.constant 0 : i32
      %dma_wait3A_20 = tpu.memref_slice %arg4[%mul3A_2, %dma_wait3A_19] : memref<10240x128xf32, #tpu.memory_space<hbm>> -> memref<640x128xf32, #tpu.memory_space<hbm>>
      tpu.wait_dma2 semaphore(%run_scoped3A : memref<!tpu.dma_semaphore, #tpu.memory_space<semaphore_mem>>) src(%dma_wait3A_20 : memref<640x128xf32, #tpu.memory_space<hbm>>) dst(%dma_wait3A_18 : memref<640x128xf32, #tpu.memory_space<vmem_shared>>)
      tpu.yield
    }) : () -> ()
    %barrier3A = arith.constant 0 : index
    tpu.barrier barrier_id(%barrier3A)
    %scan3A = arith.constant 0 : i32
    %scan3A_5 = arith.constant 0 : i32
    %scan3A_6 = arith.constant 79 : i32
    %scan3A_7 = arith.addi %scan3A_5, %scan3A_6 : i32
    %scan3A_8 = arith.constant 1 : i32
    scf.for %scan3A_15 = %scan3A_5 to %scan3A_7 step %scan3A_8  : i32 {
      %run_scoped3A = arith.constant 0 : i32
      "tpu.region"() ({
        %run_scoped3A_21 = tpu.sem_alloc : memref<!tpu.dma_semaphore, #tpu.memory_space<semaphore_mem>>
        %dma_start3A_22 = arith.constant 0 : i32
        %dma_start3A_23 = tpu.memref_slice %arg3[%add3A, %scan3A_15, %run_scoped3A, %dma_start3A_22] : memref<32x79x2x128xi32, #tpu.memory_space<hbm>> -> memref<1x1x1x128xi32, #tpu.memory_space<hbm>>
        %dma_start3A_24 = tpu.memref_squeeze %dma_start3A_23 : memref<1x1x1x128xi32, #tpu.memory_space<hbm>> -> memref<128xi32, #tpu.memory_space<hbm>>
        %dma_start3A_25 = arith.constant 0 : i32
        %dma_start3A_26 = tpu.memref_slice %arg3[%add3A, %scan3A_15, %run_scoped3A, %dma_start3A_25] : memref<32x79x2x128xi32, #tpu.memory_space<hbm>> -> memref<1x1x1x128xi32, #tpu.memory_space<hbm>>
        %dma_start3A_27 = tpu.memref_squeeze %dma_start3A_26 : memref<1x1x1x128xi32, #tpu.memory_space<hbm>> -> memref<128xi32, #tpu.memory_space<hbm>>
        tpu.enqueue_dma source(%dma_start3A_27 : memref<128xi32, #tpu.memory_space<hbm>>) target(%arg6 : memref<128xi32, #tpu.memory_space<vmem>>) target_semaphore(%run_scoped3A_21 : memref<!tpu.dma_semaphore, #tpu.memory_space<semaphore_mem>>)
        %dma_wait3A_28 = arith.constant 0 : i32
        %dma_wait3A_29 = tpu.memref_slice %arg3[%add3A, %scan3A_15, %run_scoped3A, %dma_wait3A_28] : memref<32x79x2x128xi32, #tpu.memory_space<hbm>> -> memref<1x1x1x128xi32, #tpu.memory_space<hbm>>
        %dma_wait3A_30 = tpu.memref_squeeze %dma_wait3A_29 : memref<1x1x1x128xi32, #tpu.memory_space<hbm>> -> memref<128xi32, #tpu.memory_space<hbm>>
        %dma_wait3A_31 = arith.constant 0 : i32
        %dma_wait3A_32 = tpu.memref_slice %arg3[%add3A, %scan3A_15, %run_scoped3A, %dma_wait3A_31] : memref<32x79x2x128xi32, #tpu.memory_space<hbm>> -> memref<1x1x1x128xi32, #tpu.memory_space<hbm>>
        %dma_wait3A_33 = tpu.memref_squeeze %dma_wait3A_32 : memref<1x1x1x128xi32, #tpu.memory_space<hbm>> -> memref<128xi32, #tpu.memory_space<hbm>>
        tpu.wait_dma2 semaphore(%run_scoped3A_21 : memref<!tpu.dma_semaphore, #tpu.memory_space<semaphore_mem>>) src(%dma_wait3A_33 : memref<128xi32, #tpu.memory_space<hbm>>) dst(%arg6 : memref<128xi32, #tpu.memory_space<vmem>>)
        tpu.yield
      }) : () -> ()
      %run_scoped3A_16 = arith.constant 1 : i32
      "tpu.region"() ({
        %run_scoped3A_21 = tpu.sem_alloc : memref<!tpu.dma_semaphore, #tpu.memory_space<semaphore_mem>>
        %dma_start3A_22 = arith.constant 0 : i32
        %dma_start3A_23 = tpu.memref_slice %arg3[%add3A, %scan3A_15, %run_scoped3A_16, %dma_start3A_22] : memref<32x79x2x128xi32, #tpu.memory_space<hbm>> -> memref<1x1x1x128xi32, #tpu.memory_space<hbm>>
        %dma_start3A_24 = tpu.memref_squeeze %dma_start3A_23 : memref<1x1x1x128xi32, #tpu.memory_space<hbm>> -> memref<128xi32, #tpu.memory_space<hbm>>
        %dma_start3A_25 = arith.constant 0 : i32
        %dma_start3A_26 = tpu.memref_slice %arg3[%add3A, %scan3A_15, %run_scoped3A_16, %dma_start3A_25] : memref<32x79x2x128xi32, #tpu.memory_space<hbm>> -> memref<1x1x1x128xi32, #tpu.memory_space<hbm>>
        %dma_start3A_27 = tpu.memref_squeeze %dma_start3A_26 : memref<1x1x1x128xi32, #tpu.memory_space<hbm>> -> memref<128xi32, #tpu.memory_space<hbm>>
        tpu.enqueue_dma source(%dma_start3A_27 : memref<128xi32, #tpu.memory_space<hbm>>) target(%arg7 : memref<128xi32, #tpu.memory_space<vmem>>) target_semaphore(%run_scoped3A_21 : memref<!tpu.dma_semaphore, #tpu.memory_space<semaphore_mem>>)
        %dma_wait3A_28 = arith.constant 0 : i32
        %dma_wait3A_29 = tpu.memref_slice %arg3[%add3A, %scan3A_15, %run_scoped3A_16, %dma_wait3A_28] : memref<32x79x2x128xi32, #tpu.memory_space<hbm>> -> memref<1x1x1x128xi32, #tpu.memory_space<hbm>>
        %dma_wait3A_30 = tpu.memref_squeeze %dma_wait3A_29 : memref<1x1x1x128xi32, #tpu.memory_space<hbm>> -> memref<128xi32, #tpu.memory_space<hbm>>
        %dma_wait3A_31 = arith.constant 0 : i32
        %dma_wait3A_32 = tpu.memref_slice %arg3[%add3A, %scan3A_15, %run_scoped3A_16, %dma_wait3A_31] : memref<32x79x2x128xi32, #tpu.memory_space<hbm>> -> memref<1x1x1x128xi32, #tpu.memory_space<hbm>>
        %dma_wait3A_33 = tpu.memref_squeeze %dma_wait3A_32 : memref<1x1x1x128xi32, #tpu.memory_space<hbm>> -> memref<128xi32, #tpu.memory_space<hbm>>
        tpu.wait_dma2 semaphore(%run_scoped3A_21 : memref<!tpu.dma_semaphore, #tpu.memory_space<semaphore_mem>>) src(%dma_wait3A_33 : memref<128xi32, #tpu.memory_space<hbm>>) dst(%arg7 : memref<128xi32, #tpu.memory_space<vmem>>)
        tpu.yield
      }) : () -> ()
      %dma_start3A = arith.constant 0 : i32
      %dma_start3A_17 = arith.constant 0 : i32
      %dma_start3A_18 = tpu.memref_slice %arg2[%dma_start3A, %dma_start3A_17] : memref<10240x128xf32, #tpu.memory_space<hbm>> -> memref<10240x128xf32, #tpu.memory_space<hbm>>
      tpu.enqueue_indirect_dma source(%dma_start3A_18 : memref<10240x128xf32, #tpu.memory_space<hbm>>) target(%arg8 : memref<128x128xf32, #tpu.memory_space<vmem>>) offsets(%arg7 : memref<128xi32, #tpu.memory_space<vmem>>) semaphore(%arg10 : memref<!tpu.dma_semaphore, #tpu.memory_space<semaphore_mem>>)
      %dma_wait3A = arith.constant 0 : i32
      %dma_wait3A_19 = arith.constant 0 : i32
      %dma_wait3A_20 = tpu.memref_slice %arg2[%dma_wait3A, %dma_wait3A_19] : memref<10240x128xf32, #tpu.memory_space<hbm>> -> memref<10240x128xf32, #tpu.memory_space<hbm>>
      tpu.wait_indirect_dma semaphore(%arg10 : memref<!tpu.dma_semaphore, #tpu.memory_space<semaphore_mem>>) src(%dma_wait3A_20 : memref<10240x128xf32, #tpu.memory_space<hbm>>) dst(%arg8 : memref<128x128xf32, #tpu.memory_space<vmem>>)
      "tpu.region"() ({
        %run_scoped3A_21 = tpu.sem_alloc : memref<!tpu.dma_semaphore, #tpu.memory_space<semaphore_mem>>
        %dma_start3A_22 = arith.constant 0 : i32
        %dma_start3A_23 = arith.constant 0 : i32
        %dma_start3A_24 = tpu.memref_slice %arg9[%dma_start3A_22, %dma_start3A_23] : memref<10240x128xf32, #tpu.memory_space<vmem_shared>> -> memref<10240x128xf32, #tpu.memory_space<vmem_shared>>
        tpu.enqueue_indirect_dma source(%arg8 : memref<128x128xf32, #tpu.memory_space<vmem>>) target(%dma_start3A_24 : memref<10240x128xf32, #tpu.memory_space<vmem_shared>>) offsets(%arg6 : memref<128xi32, #tpu.memory_space<vmem>>) semaphore(%run_scoped3A_21 : memref<!tpu.dma_semaphore, #tpu.memory_space<semaphore_mem>>) {add = true}
        %dma_wait3A_25 = arith.constant 0 : i32
        %dma_wait3A_26 = arith.constant 0 : i32
        %dma_wait3A_27 = tpu.memref_slice %arg9[%dma_wait3A_25, %dma_wait3A_26] : memref<10240x128xf32, #tpu.memory_space<vmem_shared>> -> memref<10240x128xf32, #tpu.memory_space<vmem_shared>>
        tpu.wait_indirect_dma semaphore(%run_scoped3A_21 : memref<!tpu.dma_semaphore, #tpu.memory_space<semaphore_mem>>) src(%arg8 : memref<128x128xf32, #tpu.memory_space<vmem>>) dst(%dma_wait3A_27 : memref<10240x128xf32, #tpu.memory_space<vmem_shared>>)
        tpu.yield
      }) : () -> ()
    }
    %scan3A_9 = arith.constant 79 : i32
    %barrier3A_10 = arith.constant 0 : index
    tpu.barrier barrier_id(%barrier3A_10)
    %mul3A_11 = arith.constant 640 : i32
    %mul3A_12 = arith.muli %arg1, %mul3A_11 : i32
    %mul3A_13 = arith.constant 640 : i32
    %mul3A_14 = arith.muli %arg1, %mul3A_13 : i32
    "tpu.region"() ({
      %run_scoped3A = tpu.sem_alloc : memref<!tpu.dma_semaphore, #tpu.memory_space<semaphore_mem>>
      %dma_start3A = arith.constant 0 : i32
      %dma_start3A_15 = tpu.memref_slice %arg5[%arg0, %mul3A_14, %dma_start3A] : memref<2x10240x128xf32, #tpu.memory_space<hbm>> -> memref<1x640x128xf32, #tpu.memory_space<hbm>>
      %dma_start3A_16 = tpu.memref_squeeze %dma_start3A_15 : memref<1x640x128xf32, #tpu.memory_space<hbm>> -> memref<640x128xf32, #tpu.memory_space<hbm>>
      %dma_start3A_17 = arith.constant 0 : i32
      %dma_start3A_18 = tpu.memref_slice %arg9[%mul3A_12, %dma_start3A_17] : memref<10240x128xf32, #tpu.memory_space<vmem_shared>> -> memref<640x128xf32, #tpu.memory_space<vmem_shared>>
      tpu.enqueue_dma source(%dma_start3A_18 : memref<640x128xf32, #tpu.memory_space<vmem_shared>>) target(%dma_start3A_16 : memref<640x128xf32, #tpu.memory_space<hbm>>) target_semaphore(%run_scoped3A : memref<!tpu.dma_semaphore, #tpu.memory_space<semaphore_mem>>)
      %dma_wait3A = arith.constant 0 : i32
      %dma_wait3A_19 = tpu.memref_slice %arg5[%arg0, %mul3A_14, %dma_wait3A] : memref<2x10240x128xf32, #tpu.memory_space<hbm>> -> memref<1x640x128xf32, #tpu.memory_space<hbm>>
      %dma_wait3A_20 = tpu.memref_squeeze %dma_wait3A_19 : memref<1x640x128xf32, #tpu.memory_space<hbm>> -> memref<640x128xf32, #tpu.memory_space<hbm>>
      %dma_wait3A_21 = arith.constant 0 : i32
      %dma_wait3A_22 = tpu.memref_slice %arg9[%mul3A_12, %dma_wait3A_21] : memref<10240x128xf32, #tpu.memory_space<vmem_shared>> -> memref<640x128xf32, #tpu.memory_space<vmem_shared>>
      tpu.wait_dma2 semaphore(%run_scoped3A : memref<!tpu.dma_semaphore, #tpu.memory_space<semaphore_mem>>) src(%dma_wait3A_22 : memref<640x128xf32, #tpu.memory_space<vmem_shared>>) dst(%dma_wait3A_20 : memref<640x128xf32, #tpu.memory_space<hbm>>)
      tpu.yield
    }) : () -> ()
    return
  }
}

module attributes {stable_mosaic.version = 14 : i64} {
  func.func @_mm3_body(%arg0: i32, %arg1: memref<1024x128xf32, #tpu.memory_space<vmem>>, %arg2: memref<128x128xf32, #tpu.memory_space<vmem>>, %arg3: memref<128x128xf32, #tpu.memory_space<vmem>>, %arg4: memref<128x128xf32, #tpu.memory_space<vmem>>, %arg5: memref<1024x128xf32, #tpu.memory_space<vmem>>, %arg6: memref<1024x128xf32, #tpu.memory_space<vmem>>, %arg7: memref<1024x128xf32, #tpu.memory_space<vmem>>) attributes {dimension_semantics = [#tpu.dimension_semantics<arbitrary>], iteration_bounds = array<i64: 10>, scalar_prefetch = 0 : i64, scratch_operands = 0 : i64, tpu.core_type = #tpu.core_type<tc>, window_params = [{transform_indices = @transform_0, window_bounds = array<i64: 1024, 128>}, {pipeline_mode = #tpu.pipeline_mode<synchronous>, transform_indices = @transform_1, window_bounds = array<i64: 128, 128>}, {pipeline_mode = #tpu.pipeline_mode<synchronous>, transform_indices = @transform_2, window_bounds = array<i64: 128, 128>}, {pipeline_mode = #tpu.pipeline_mode<synchronous>, transform_indices = @transform_3, window_bounds = array<i64: 128, 128>}, {transform_indices = @transform_4, window_bounds = array<i64: 1024, 128>}, {transform_indices = @transform_5, window_bounds = array<i64: 1024, 128>}, {transform_indices = @transform_6, window_bounds = array<i64: 1024, 128>}]} {
    %get3A = arith.constant 0 : index
    %get3A_0 = arith.constant 0 : index
    %get3A_1 = vector.load %arg1[%get3A, %get3A_0] : memref<1024x128xf32, #tpu.memory_space<vmem>>, vector<1024x128xf32>
    %get3A_2 = arith.constant 0 : index
    %get3A_3 = arith.constant 0 : index
    %get3A_4 = vector.load %arg2[%get3A_2, %get3A_3] : memref<128x128xf32, #tpu.memory_space<vmem>>, vector<128x128xf32>
    %dot_general3A = arith.constant dense<0.000000e+00> : vector<1024x128xf32>
    %dot_general3A_5 = tpu.matmul %get3A_1, %get3A_4, %dot_general3A {dimension_numbers = #tpu.dot_dimension_numbers<[1], [1], [0], [0], [0, 0, 1, 0], [], []>, transpose_lhs_hint = false} : vector<1024x128xf32>, vector<128x128xf32>, vector<1024x128xf32> -> vector<1024x128xf32>
    %swap3A = arith.constant 0 : index
    %swap3A_6 = arith.constant 0 : index
    %swap3A_7 = vector.load %arg5[%swap3A, %swap3A_6] : memref<1024x128xf32, #tpu.memory_space<vmem>>, vector<1024x128xf32>
    tpu.vector_store %arg5[%swap3A, %swap3A_6], %dot_general3A_5 {strides = array<i32>} : memref<1024x128xf32, #tpu.memory_space<vmem>>, vector<1024x128xf32>,
    %get3A_8 = arith.constant 0 : index
    %get3A_9 = arith.constant 0 : index
    %get3A_10 = vector.load %arg3[%get3A_8, %get3A_9] : memref<128x128xf32, #tpu.memory_space<vmem>>, vector<128x128xf32>
    %dot_general3A_11 = arith.constant dense<0.000000e+00> : vector<1024x128xf32>
    %dot_general3A_12 = tpu.matmul %get3A_1, %get3A_10, %dot_general3A_11 {dimension_numbers = #tpu.dot_dimension_numbers<[1], [1], [0], [0], [0, 0, 1, 0], [], []>, transpose_lhs_hint = false} : vector<1024x128xf32>, vector<128x128xf32>, vector<1024x128xf32> -> vector<1024x128xf32>
    %swap3A_13 = arith.constant 0 : index
    %swap3A_14 = arith.constant 0 : index
    %swap3A_15 = vector.load %arg6[%swap3A_13, %swap3A_14] : memref<1024x128xf32, #tpu.memory_space<vmem>>, vector<1024x128xf32>
    tpu.vector_store %arg6[%swap3A_13, %swap3A_14], %dot_general3A_12 {strides = array<i32>} : memref<1024x128xf32, #tpu.memory_space<vmem>>, vector<1024x128xf32>,
    %get3A_16 = arith.constant 0 : index
    %get3A_17 = arith.constant 0 : index
    %get3A_18 = vector.load %arg4[%get3A_16, %get3A_17] : memref<128x128xf32, #tpu.memory_space<vmem>>, vector<128x128xf32>
    %dot_general3A_19 = arith.constant dense<0.000000e+00> : vector<1024x128xf32>
    %dot_general3A_20 = tpu.matmul %get3A_1, %get3A_18, %dot_general3A_19 {dimension_numbers = #tpu.dot_dimension_numbers<[1], [1], [0], [0], [0, 0, 1, 0], [], []>, transpose_lhs_hint = false} : vector<1024x128xf32>, vector<128x128xf32>, vector<1024x128xf32> -> vector<1024x128xf32>
    %swap3A_21 = arith.constant 0 : index
    %swap3A_22 = arith.constant 0 : index
    %swap3A_23 = vector.load %arg7[%swap3A_21, %swap3A_22] : memref<1024x128xf32, #tpu.memory_space<vmem>>, vector<1024x128xf32>
    tpu.vector_store %arg7[%swap3A_21, %swap3A_22], %dot_general3A_20 {strides = array<i32>} : memref<1024x128xf32, #tpu.memory_space<vmem>>, vector<1024x128xf32>,
    return
  }
  func.func @transform_0(%arg0: i32) -> (i32, i32) {
    %c0_i32 = arith.constant 0 : i32
    %c0_i32_0 = arith.constant 0 : i32
    return %arg0, %c0_i32 : i32, i32
  }
  func.func @transform_1(%arg0: i32) -> (i32, i32) {
    %c0_i32 = arith.constant 0 : i32
    %c0_i32_0 = arith.constant 0 : i32
    %c0_i32_1 = arith.constant 0 : i32
    return %c0_i32, %c0_i32_0 : i32, i32
  }
  func.func @transform_2(%arg0: i32) -> (i32, i32) {
    %c0_i32 = arith.constant 0 : i32
    %c0_i32_0 = arith.constant 0 : i32
    %c0_i32_1 = arith.constant 0 : i32
    return %c0_i32, %c0_i32_0 : i32, i32
  }
  func.func @transform_3(%arg0: i32) -> (i32, i32) {
    %c0_i32 = arith.constant 0 : i32
    %c0_i32_0 = arith.constant 0 : i32
    %c0_i32_1 = arith.constant 0 : i32
    return %c0_i32, %c0_i32_0 : i32, i32
  }
  func.func @transform_4(%arg0: i32) -> (i32, i32) {
    %c0_i32 = arith.constant 0 : i32
    %c0_i32_0 = arith.constant 0 : i32
    return %arg0, %c0_i32 : i32, i32
  }
  func.func @transform_5(%arg0: i32) -> (i32, i32) {
    %c0_i32 = arith.constant 0 : i32
    %c0_i32_0 = arith.constant 0 : i32
    return %arg0, %c0_i32 : i32, i32
  }
  func.func @transform_6(%arg0: i32) -> (i32, i32) {
    %c0_i32 = arith.constant 0 : i32
    %c0_i32_0 = arith.constant 0 : i32
    return %arg0, %c0_i32 : i32, i32
  }
}

module attributes {stable_mosaic.version = 14 : i64} {
  func.func @_post_mm3_body(%arg0: i32, %arg1: memref<1024x128xf32, #tpu.memory_space<vmem>>, %arg2: memref<1024x128xf32, #tpu.memory_space<vmem>>, %arg3: memref<2x1024x128xf32, #tpu.memory_space<vmem>>, %arg4: memref<2x1024x1xf32, #tpu.memory_space<vmem>>, %arg5: memref<1x128xf32, #tpu.memory_space<vmem>>, %arg6: memref<128x128xf32, #tpu.memory_space<vmem>>, %arg7: memref<128x128xf32, #tpu.memory_space<vmem>>, %arg8: memref<128x128xf32, #tpu.memory_space<vmem>>, %arg9: memref<1024x128xf32, #tpu.memory_space<vmem>>, %arg10: memref<1024x128xf32, #tpu.memory_space<vmem>>, %arg11: memref<1024x128xf32, #tpu.memory_space<vmem>>) attributes {dimension_semantics = [#tpu.dimension_semantics<arbitrary>], iteration_bounds = array<i64: 10>, scalar_prefetch = 0 : i64, scratch_operands = 0 : i64, tpu.core_type = #tpu.core_type<tc>, window_params = [{transform_indices = @transform_0, window_bounds = array<i64: 1024, 128>}, {transform_indices = @transform_1, window_bounds = array<i64: 1024, 128>}, {transform_indices = @transform_2, window_bounds = array<i64: 2, 1024, 128>}, {transform_indices = @transform_3, window_bounds = array<i64: 2, 1024, 1>}, {pipeline_mode = #tpu.pipeline_mode<synchronous>, transform_indices = @transform_4, window_bounds = array<i64: 1, 128>}, {pipeline_mode = #tpu.pipeline_mode<synchronous>, transform_indices = @transform_5, window_bounds = array<i64: 128, 128>}, {pipeline_mode = #tpu.pipeline_mode<synchronous>, transform_indices = @transform_6, window_bounds = array<i64: 128, 128>}, {pipeline_mode = #tpu.pipeline_mode<synchronous>, transform_indices = @transform_7, window_bounds = array<i64: 128, 128>}, {transform_indices = @transform_8, window_bounds = array<i64: 1024, 128>}, {transform_indices = @transform_9, window_bounds = array<i64: 1024, 128>}, {transform_indices = @transform_10, window_bounds = array<i64: 1024, 128>}]} {
    %get3A = arith.constant 0 : index
    %get3A_0 = arith.constant 0 : index
    %get3A_1 = arith.constant 0 : index
    %get3A_2 = vector.load %arg3[%get3A, %get3A_0, %get3A_1] : memref<2x1024x128xf32, #tpu.memory_space<vmem>>, vector<2x1024x128xf32>
    %slice3A = vector.extract_strided_slice %get3A_2 {offsets = [0, 0, 0], sizes = [1, 1024, 128], strides = [1, 1, 1]} : vector<2x1024x128xf32> to vector<1x1024x128xf32>
    %squeeze3A = vector.shape_cast %slice3A : vector<1x1024x128xf32> to vector<1024x128xf32>
    %slice3A_3 = vector.extract_strided_slice %get3A_2 {offsets = [1, 0, 0], sizes = [1, 1024, 128], strides = [1, 1, 1]} : vector<2x1024x128xf32> to vector<1x1024x128xf32>
    %squeeze3A_4 = vector.shape_cast %slice3A_3 : vector<1x1024x128xf32> to vector<1024x128xf32>
    %add3A = arith.addf %squeeze3A, %squeeze3A_4 : vector<1024x128xf32>
    %get3A_5 = arith.constant 0 : index
    %get3A_6 = arith.constant 0 : index
    %get3A_7 = arith.constant 0 : index
    %get3A_8 = vector.load %arg4[%get3A_5, %get3A_6, %get3A_7] : memref<2x1024x1xf32, #tpu.memory_space<vmem>>, vector<2x1024x1xf32>
    %slice3A_9 = vector.extract_strided_slice %get3A_8 {offsets = [0, 0, 0], sizes = [1, 1024, 1], strides = [1, 1, 1]} : vector<2x1024x1xf32> to vector<1x1024x1xf32>
    %squeeze3A_10 = vector.shape_cast %slice3A_9 : vector<1x1024x1xf32> to vector<1024x1xf32>
    %slice3A_11 = vector.extract_strided_slice %get3A_8 {offsets = [1, 0, 0], sizes = [1, 1024, 1], strides = [1, 1, 1]} : vector<2x1024x1xf32> to vector<1x1024x1xf32>
    %squeeze3A_12 = vector.shape_cast %slice3A_11 : vector<1x1024x1xf32> to vector<1024x1xf32>
    %add3A_13 = arith.addf %squeeze3A_10, %squeeze3A_12 : vector<1024x1xf32>
    %max3A = arith.constant 1.000000e+00 : f32
    %max3A_14 = vector.broadcast %max3A : f32 to vector<1024x1xf32>
    %max3A_15 = arith.maximumf %add3A_13, %max3A_14 : vector<1024x1xf32>
    %div3A = arith.constant 1.000000e+00 : f32
    %div3A_16 = vector.broadcast %div3A : f32 to vector<1024x1xf32>
    %div3A_17 = arith.divf %div3A_16, %max3A_15 : vector<1024x1xf32>
    %gt3A = arith.constant 0.000000e+00 : f32
    %gt3A_18 = vector.broadcast %gt3A : f32 to vector<1024x1xf32>
    %gt3A_19 = arith.cmpf ogt, %add3A_13, %gt3A_18 : vector<1024x1xf32>
    %convert_element_type3A = arith.extui %gt3A_19 : vector<1024x1xi1> to vector<1024x1xi32>
    %convert_element_type3A_20 = arith.sitofp %convert_element_type3A : vector<1024x1xi32> to vector<1024x1xf32>
    %get3A_21 = arith.constant 0 : index
    %get3A_22 = arith.constant 0 : index
    %get3A_23 = vector.load %arg1[%get3A_21, %get3A_22] : memref<1024x128xf32, #tpu.memory_space<vmem>>, vector<1024x128xf32>
    %get3A_24 = arith.constant 0 : index
    %get3A_25 = arith.constant 0 : index
    %get3A_26 = vector.load %arg5[%get3A_24, %get3A_25] : memref<1x128xf32, #tpu.memory_space<vmem>>, vector<1x128xf32>
    %add3A_27 = vector.broadcast %get3A_26 : vector<1x128xf32> to vector<1024x128xf32>
    %add3A_28 = arith.addf %get3A_23, %add3A_27 : vector<1024x128xf32>
    %mul3A = vector.broadcast %div3A_17 : vector<1024x1xf32> to vector<1024x128xf32>
    %mul3A_29 = arith.mulf %add3A, %mul3A : vector<1024x128xf32>
    %get3A_30 = arith.constant 0 : index
    %get3A_31 = arith.constant 0 : index
    %get3A_32 = vector.load %arg2[%get3A_30, %get3A_31] : memref<1024x128xf32, #tpu.memory_space<vmem>>, vector<1024x128xf32>
    %add3A_33 = arith.addf %mul3A_29, %get3A_32 : vector<1024x128xf32>
    %mul3A_34 = vector.broadcast %convert_element_type3A_20 : vector<1024x1xf32> to vector<1024x128xf32>
    %mul3A_35 = arith.mulf %mul3A_34, %add3A_33 : vector<1024x128xf32>
    %add3A_36 = arith.addf %add3A_28, %mul3A_35 : vector<1024x128xf32>
    %gt3A_37 = arith.constant 0.000000e+00 : f32
    %gt3A_38 = vector.broadcast %gt3A_37 : f32 to vector<1024x128xf32>
    %gt3A_39 = arith.cmpf ogt, %add3A_36, %gt3A_38 : vector<1024x128xf32>
    %min3A = arith.constant 0.000000e+00 : f32
    %min3A_40 = vector.broadcast %min3A : f32 to vector<1024x128xf32>
    %min3A_41 = arith.minimumf %add3A_36, %min3A_40 : vector<1024x128xf32>
    %exp3A = math.exp %min3A_41 : vector<1024x128xf32>
    %sub3A = arith.constant 1.000000e+00 : f32
    %sub3A_42 = vector.broadcast %sub3A : f32 to vector<1024x128xf32>
    %sub3A_43 = arith.subf %exp3A, %sub3A_42 : vector<1024x128xf32>
    %select_n3A = arith.select %gt3A_39, %add3A_36, %sub3A_43 : vector<1024x128xi1>, vector<1024x128xf32>
    %get3A_44 = arith.constant 0 : index
    %get3A_45 = arith.constant 0 : index
    %get3A_46 = vector.load %arg6[%get3A_44, %get3A_45] : memref<128x128xf32, #tpu.memory_space<vmem>>, vector<128x128xf32>
    %dot_general3A = arith.constant dense<0.000000e+00> : vector<1024x128xf32>
    %dot_general3A_47 = tpu.matmul %select_n3A, %get3A_46, %dot_general3A {dimension_numbers = #tpu.dot_dimension_numbers<[1], [1], [0], [0], [0, 0, 1, 0], [], []>, transpose_lhs_hint = false} : vector<1024x128xf32>, vector<128x128xf32>, vector<1024x128xf32> -> vector<1024x128xf32>
    %swap3A = arith.constant 0 : index
    %swap3A_48 = arith.constant 0 : index
    %swap3A_49 = vector.load %arg9[%swap3A, %swap3A_48] : memref<1024x128xf32, #tpu.memory_space<vmem>>, vector<1024x128xf32>
    tpu.vector_store %arg9[%swap3A, %swap3A_48], %dot_general3A_47 {strides = array<i32>} : memref<1024x128xf32, #tpu.memory_space<vmem>>, vector<1024x128xf32>,
    %get3A_50 = arith.constant 0 : index
    %get3A_51 = arith.constant 0 : index
    %get3A_52 = vector.load %arg7[%get3A_50, %get3A_51] : memref<128x128xf32, #tpu.memory_space<vmem>>, vector<128x128xf32>
    %dot_general3A_53 = arith.constant dense<0.000000e+00> : vector<1024x128xf32>
    %dot_general3A_54 = tpu.matmul %select_n3A, %get3A_52, %dot_general3A_53 {dimension_numbers = #tpu.dot_dimension_numbers<[1], [1], [0], [0], [0, 0, 1, 0], [], []>, transpose_lhs_hint = false} : vector<1024x128xf32>, vector<128x128xf32>, vector<1024x128xf32> -> vector<1024x128xf32>
    %swap3A_55 = arith.constant 0 : index
    %swap3A_56 = arith.constant 0 : index
    %swap3A_57 = vector.load %arg10[%swap3A_55, %swap3A_56] : memref<1024x128xf32, #tpu.memory_space<vmem>>, vector<1024x128xf32>
    tpu.vector_store %arg10[%swap3A_55, %swap3A_56], %dot_general3A_54 {strides = array<i32>} : memref<1024x128xf32, #tpu.memory_space<vmem>>, vector<1024x128xf32>,
    %get3A_58 = arith.constant 0 : index
    %get3A_59 = arith.constant 0 : index
    %get3A_60 = vector.load %arg8[%get3A_58, %get3A_59] : memref<128x128xf32, #tpu.memory_space<vmem>>, vector<128x128xf32>
    %dot_general3A_61 = arith.constant dense<0.000000e+00> : vector<1024x128xf32>
    %dot_general3A_62 = tpu.matmul %select_n3A, %get3A_60, %dot_general3A_61 {dimension_numbers = #tpu.dot_dimension_numbers<[1], [1], [0], [0], [0, 0, 1, 0], [], []>, transpose_lhs_hint = false} : vector<1024x128xf32>, vector<128x128xf32>, vector<1024x128xf32> -> vector<1024x128xf32>
    %swap3A_63 = arith.constant 0 : index
    %swap3A_64 = arith.constant 0 : index
    %swap3A_65 = vector.load %arg11[%swap3A_63, %swap3A_64] : memref<1024x128xf32, #tpu.memory_space<vmem>>, vector<1024x128xf32>
    tpu.vector_store %arg11[%swap3A_63, %swap3A_64], %dot_general3A_62 {strides = array<i32>} : memref<1024x128xf32, #tpu.memory_space<vmem>>, vector<1024x128xf32>,
    return
  }
  func.func @transform_0(%arg0: i32) -> (i32, i32) {
    %c0_i32 = arith.constant 0 : i32
    %c0_i32_0 = arith.constant 0 : i32
    return %arg0, %c0_i32 : i32, i32
  }
  func.func @transform_1(%arg0: i32) -> (i32, i32) {
    %c0_i32 = arith.constant 0 : i32
    %c0_i32_0 = arith.constant 0 : i32
    return %arg0, %c0_i32 : i32, i32
  }
  func.func @transform_2(%arg0: i32) -> (i32, i32, i32) {
    %c0_i32 = arith.constant 0 : i32
    %c0_i32_0 = arith.constant 0 : i32
    %c0_i32_1 = arith.constant 0 : i32
    return %c0_i32, %arg0, %c0_i32_0 : i32, i32, i32
  }
  func.func @transform_3(%arg0: i32) -> (i32, i32, i32) {
    %c0_i32 = arith.constant 0 : i32
    %c0_i32_0 = arith.constant 0 : i32
    %c0_i32_1 = arith.constant 0 : i32
    return %c0_i32, %arg0, %c0_i32_0 : i32, i32, i32
  }
  func.func @transform_4(%arg0: i32) -> (i32, i32) {
    %c0_i32 = arith.constant 0 : i32
    %c0_i32_0 = arith.constant 0 : i32
    %c0_i32_1 = arith.constant 0 : i32
    return %c0_i32, %c0_i32_0 : i32, i32
  }
  func.func @transform_5(%arg0: i32) -> (i32, i32) {
    %c0_i32 = arith.constant 0 : i32
    %c0_i32_0 = arith.constant 0 : i32
    %c0_i32_1 = arith.constant 0 : i32
    return %c0_i32, %c0_i32_0 : i32, i32
  }
  func.func @transform_6(%arg0: i32) -> (i32, i32) {
    %c0_i32 = arith.constant 0 : i32
    %c0_i32_0 = arith.constant 0 : i32
    %c0_i32_1 = arith.constant 0 : i32
    return %c0_i32, %c0_i32_0 : i32, i32
  }
  func.func @transform_7(%arg0: i32) -> (i32, i32) {
    %c0_i32 = arith.constant 0 : i32
    %c0_i32_0 = arith.constant 0 : i32
    %c0_i32_1 = arith.constant 0 : i32
    return %c0_i32, %c0_i32_0 : i32, i32
  }
  func.func @transform_8(%arg0: i32) -> (i32, i32) {
    %c0_i32 = arith.constant 0 : i32
    %c0_i32_0 = arith.constant 0 : i32
    return %arg0, %c0_i32 : i32, i32
  }
  func.func @transform_9(%arg0: i32) -> (i32, i32) {
    %c0_i32 = arith.constant 0 : i32
    %c0_i32_0 = arith.constant 0 : i32
    return %arg0, %c0_i32 : i32, i32
  }
  func.func @transform_10(%arg0: i32) -> (i32, i32) {
    %c0_i32 = arith.constant 0 : i32
    %c0_i32_0 = arith.constant 0 : i32
    return %arg0, %c0_i32 : i32, i32
  }
}

module attributes {stable_mosaic.version = 14 : i64} {
  func.func @_final_body(%arg0: i32, %arg1: memref<1024x128xf32, #tpu.memory_space<vmem>>, %arg2: memref<1024x128xf32, #tpu.memory_space<vmem>>, %arg3: memref<2x1024x128xf32, #tpu.memory_space<vmem>>, %arg4: memref<2x1024x1xf32, #tpu.memory_space<vmem>>, %arg5: memref<1x128xf32, #tpu.memory_space<vmem>>, %arg6: memref<1x1x1024xi32, #tpu.memory_space<vmem>>, %arg7: memref<10x128xf32, #tpu.memory_space<vmem>>, %arg8: memref<1x10xf32, #tpu.memory_space<vmem>>, %arg9: memref<64x10xf32, #tpu.memory_space<vmem>>, %arg10: memref<64x128xf32, #tpu.memory_space<vmem>>, %arg11: memref<64x128xf32, #tpu.memory_space<vmem>>) attributes {dimension_semantics = [#tpu.dimension_semantics<arbitrary>], iteration_bounds = array<i64: 10>, scalar_prefetch = 0 : i64, scratch_operands = 2 : i64, tpu.core_type = #tpu.core_type<tc>, window_params = [{transform_indices = @transform_0, window_bounds = array<i64: 1024, 128>}, {transform_indices = @transform_1, window_bounds = array<i64: 1024, 128>}, {transform_indices = @transform_2, window_bounds = array<i64: 2, 1024, 128>}, {transform_indices = @transform_3, window_bounds = array<i64: 2, 1024, 1>}, {pipeline_mode = #tpu.pipeline_mode<synchronous>, transform_indices = @transform_4, window_bounds = array<i64: 1, 128>}, {transform_indices = @transform_5, window_bounds = array<i64: 1, 1, 1024>}, {pipeline_mode = #tpu.pipeline_mode<synchronous>, transform_indices = @transform_6, window_bounds = array<i64: 10, 128>}, {pipeline_mode = #tpu.pipeline_mode<synchronous>, transform_indices = @transform_7, window_bounds = array<i64: 1, 10>}, {pipeline_mode = #tpu.pipeline_mode<synchronous>, transform_indices = @transform_8, window_bounds = array<i64: 64, 10>}]} {
    %eq3A = arith.constant 0 : i32
    %eq3A_0 = arith.cmpi eq, %arg0, %eq3A : i32
    %convert_element_type3A = arith.extui %eq3A_0 : i1 to i32
    %cond3A = arith.constant 0 : i32
    %cond3A_1 = arith.cmpi ne, %convert_element_type3A, %cond3A : i32
    scf.if %cond3A_1 {
      %broadcast_in_dim3A_79 = arith.constant 0.000000e+00 : f32
      %broadcast_in_dim3A_80 = vector.broadcast %broadcast_in_dim3A_79 : f32 to vector<64x128xf32>
      %swap3A_81 = arith.constant 0 : index
      %swap3A_82 = arith.constant 0 : index
      %swap3A_83 = vector.load %arg10[%swap3A_81, %swap3A_82] : memref<64x128xf32, #tpu.memory_space<vmem>>, vector<64x128xf32>
      tpu.vector_store %arg10[%swap3A_81, %swap3A_82], %broadcast_in_dim3A_80 {strides = array<i32>} : memref<64x128xf32, #tpu.memory_space<vmem>>, vector<64x128xf32>,
      %broadcast_in_dim3A_84 = arith.constant 0.000000e+00 : f32
      %broadcast_in_dim3A_85 = vector.broadcast %broadcast_in_dim3A_84 : f32 to vector<64x128xf32>
      %swap3A_86 = arith.constant 0 : index
      %swap3A_87 = arith.constant 0 : index
      %swap3A_88 = vector.load %arg11[%swap3A_86, %swap3A_87] : memref<64x128xf32, #tpu.memory_space<vmem>>, vector<64x128xf32>
      tpu.vector_store %arg11[%swap3A_86, %swap3A_87], %broadcast_in_dim3A_85 {strides = array<i32>} : memref<64x128xf32, #tpu.memory_space<vmem>>, vector<64x128xf32>,
    } else {
    }
    %get3A = arith.constant 0 : index
    %get3A_2 = arith.constant 0 : index
    %get3A_3 = arith.constant 0 : index
    %get3A_4 = vector.load %arg3[%get3A, %get3A_2, %get3A_3] : memref<2x1024x128xf32, #tpu.memory_space<vmem>>, vector<2x1024x128xf32>
    %slice3A = vector.extract_strided_slice %get3A_4 {offsets = [0, 0, 0], sizes = [1, 1024, 128], strides = [1, 1, 1]} : vector<2x1024x128xf32> to vector<1x1024x128xf32>
    %squeeze3A = vector.shape_cast %slice3A : vector<1x1024x128xf32> to vector<1024x128xf32>
    %slice3A_5 = vector.extract_strided_slice %get3A_4 {offsets = [1, 0, 0], sizes = [1, 1024, 128], strides = [1, 1, 1]} : vector<2x1024x128xf32> to vector<1x1024x128xf32>
    %squeeze3A_6 = vector.shape_cast %slice3A_5 : vector<1x1024x128xf32> to vector<1024x128xf32>
    %add3A = arith.addf %squeeze3A, %squeeze3A_6 : vector<1024x128xf32>
    %get3A_7 = arith.constant 0 : index
    %get3A_8 = arith.constant 0 : index
    %get3A_9 = arith.constant 0 : index
    %get3A_10 = vector.load %arg4[%get3A_7, %get3A_8, %get3A_9] : memref<2x1024x1xf32, #tpu.memory_space<vmem>>, vector<2x1024x1xf32>
    %slice3A_11 = vector.extract_strided_slice %get3A_10 {offsets = [0, 0, 0], sizes = [1, 1024, 1], strides = [1, 1, 1]} : vector<2x1024x1xf32> to vector<1x1024x1xf32>
    %squeeze3A_12 = vector.shape_cast %slice3A_11 : vector<1x1024x1xf32> to vector<1024x1xf32>
    %slice3A_13 = vector.extract_strided_slice %get3A_10 {offsets = [1, 0, 0], sizes = [1, 1024, 1], strides = [1, 1, 1]} : vector<2x1024x1xf32> to vector<1x1024x1xf32>
    %squeeze3A_14 = vector.shape_cast %slice3A_13 : vector<1x1024x1xf32> to vector<1024x1xf32>
    %add3A_15 = arith.addf %squeeze3A_12, %squeeze3A_14 : vector<1024x1xf32>
    %max3A = arith.constant 1.000000e+00 : f32
    %max3A_16 = vector.broadcast %max3A : f32 to vector<1024x1xf32>
    %max3A_17 = arith.maximumf %add3A_15, %max3A_16 : vector<1024x1xf32>
    %div3A = arith.constant 1.000000e+00 : f32
    %div3A_18 = vector.broadcast %div3A : f32 to vector<1024x1xf32>
    %div3A_19 = arith.divf %div3A_18, %max3A_17 : vector<1024x1xf32>
    %gt3A = arith.constant 0.000000e+00 : f32
    %gt3A_20 = vector.broadcast %gt3A : f32 to vector<1024x1xf32>
    %gt3A_21 = arith.cmpf ogt, %add3A_15, %gt3A_20 : vector<1024x1xf32>
    %convert_element_type3A_22 = arith.extui %gt3A_21 : vector<1024x1xi1> to vector<1024x1xi32>
    %convert_element_type3A_23 = arith.sitofp %convert_element_type3A_22 : vector<1024x1xi32> to vector<1024x1xf32>
    %get3A_24 = arith.constant 0 : index
    %get3A_25 = arith.constant 0 : index
    %get3A_26 = vector.load %arg1[%get3A_24, %get3A_25] : memref<1024x128xf32, #tpu.memory_space<vmem>>, vector<1024x128xf32>
    %get3A_27 = arith.constant 0 : index
    %get3A_28 = arith.constant 0 : index
    %get3A_29 = vector.load %arg5[%get3A_27, %get3A_28] : memref<1x128xf32, #tpu.memory_space<vmem>>, vector<1x128xf32>
    %add3A_30 = vector.broadcast %get3A_29 : vector<1x128xf32> to vector<1024x128xf32>
    %add3A_31 = arith.addf %get3A_26, %add3A_30 : vector<1024x128xf32>
    %mul3A = vector.broadcast %div3A_19 : vector<1024x1xf32> to vector<1024x128xf32>
    %mul3A_32 = arith.mulf %add3A, %mul3A : vector<1024x128xf32>
    %get3A_33 = arith.constant 0 : index
    %get3A_34 = arith.constant 0 : index
    %get3A_35 = vector.load %arg2[%get3A_33, %get3A_34] : memref<1024x128xf32, #tpu.memory_space<vmem>>, vector<1024x128xf32>
    %add3A_36 = arith.addf %mul3A_32, %get3A_35 : vector<1024x128xf32>
    %mul3A_37 = vector.broadcast %convert_element_type3A_23 : vector<1024x1xf32> to vector<1024x128xf32>
    %mul3A_38 = arith.mulf %mul3A_37, %add3A_36 : vector<1024x128xf32>
    %add3A_39 = arith.addf %add3A_31, %mul3A_38 : vector<1024x128xf32>
    %gt3A_40 = arith.constant 0.000000e+00 : f32
    %gt3A_41 = vector.broadcast %gt3A_40 : f32 to vector<1024x128xf32>
    %gt3A_42 = arith.cmpf ogt, %add3A_39, %gt3A_41 : vector<1024x128xf32>
    %min3A = arith.constant 0.000000e+00 : f32
    %min3A_43 = vector.broadcast %min3A : f32 to vector<1024x128xf32>
    %min3A_44 = arith.minimumf %add3A_39, %min3A_43 : vector<1024x128xf32>
    %exp3A = math.exp %min3A_44 : vector<1024x128xf32>
    %sub3A = arith.constant 1.000000e+00 : f32
    %sub3A_45 = vector.broadcast %sub3A : f32 to vector<1024x128xf32>
    %sub3A_46 = arith.subf %exp3A, %sub3A_45 : vector<1024x128xf32>
    %select_n3A = arith.select %gt3A_42, %add3A_39, %sub3A_46 : vector<1024x128xi1>, vector<1024x128xf32>
    %get3A_47 = arith.constant 0 : index
    %get3A_48 = arith.constant 0 : index
    %get3A_49 = arith.constant 0 : index
    %get3A_50 = vector.load %arg6[%get3A_47, %get3A_48, %get3A_49] : memref<1x1x1024xi32, #tpu.memory_space<vmem>>, vector<1x1x1024xi32>
    %squeeze3A_51 = vector.shape_cast %get3A_50 : vector<1x1x1024xi32> to vector<1x1024xi32>
    %iota3A = tpu.iota {dimensions = array<i32: 0>} : vector<64x1024xi32>
    %broadcast_in_dim3A = vector.shape_cast %squeeze3A_51 : vector<1x1024xi32> to vector<1x1024xi32>
    %broadcast_in_dim3A_52 = vector.broadcast %broadcast_in_dim3A : vector<1x1024xi32> to vector<64x1024xi32>
    %eq3A_53 = arith.cmpi eq, %iota3A, %broadcast_in_dim3A_52 : vector<64x1024xi32>
    %convert_element_type3A_54 = arith.extui %eq3A_53 : vector<64x1024xi1> to vector<64x1024xi32>
    %convert_element_type3A_55 = arith.sitofp %convert_element_type3A_54 : vector<64x1024xi32> to vector<64x1024xf32>
    %get3A_56 = arith.constant 0 : index
    %get3A_57 = arith.constant 0 : index
    %get3A_58 = vector.load %arg10[%get3A_56, %get3A_57] : memref<64x128xf32, #tpu.memory_space<vmem>>, vector<64x128xf32>
    %dot_general3A = arith.constant dense<0.000000e+00> : vector<64x128xf32>
    %dot_general3A_59 = tpu.matmul %convert_element_type3A_55, %select_n3A, %dot_general3A {dimension_numbers = #tpu.dot_dimension_numbers<[1], [0], [0], [1], [0, 0, 1, 1], [], []>, transpose_lhs_hint = false} : vector<64x1024xf32>, vector<1024x128xf32>, vector<64x128xf32> -> vector<64x128xf32>
    %add3A_60 = arith.addf %get3A_58, %dot_general3A_59 : vector<64x128xf32>
    %swap3A = arith.constant 0 : index
    %swap3A_61 = arith.constant 0 : index
    %swap3A_62 = vector.load %arg10[%swap3A, %swap3A_61] : memref<64x128xf32, #tpu.memory_space<vmem>>, vector<64x128xf32>
    tpu.vector_store %arg10[%swap3A, %swap3A_61], %add3A_60 {strides = array<i32>} : memref<64x128xf32, #tpu.memory_space<vmem>>, vector<64x128xf32>,
    %get3A_63 = arith.constant 0 : index
    %get3A_64 = arith.constant 0 : index
    %get3A_65 = vector.load %arg11[%get3A_63, %get3A_64] : memref<64x128xf32, #tpu.memory_space<vmem>>, vector<64x128xf32>
    %reduce_sum3A = arith.constant dense<0.000000e+00> : vector<64xf32>
    %reduce_sum3A_66 = vector.multi_reduction <add>, %convert_element_type3A_55, %reduce_sum3A [1] : vector<64x1024xf32> to vector<64xf32>
    %broadcast_in_dim3A_67 = vector.shape_cast %reduce_sum3A_66 : vector<64xf32> to vector<64x1xf32>
    %broadcast_in_dim3A_68 = vector.shape_cast %broadcast_in_dim3A_67 : vector<64x1xf32> to vector<64x1xf32>
    %broadcast_in_dim3A_69 = vector.broadcast %broadcast_in_dim3A_68 : vector<64x1xf32> to vector<64x128xf32>
    %add3A_70 = arith.addf %get3A_65, %broadcast_in_dim3A_69 : vector<64x128xf32>
    %swap3A_71 = arith.constant 0 : index
    %swap3A_72 = arith.constant 0 : index
    %swap3A_73 = vector.load %arg11[%swap3A_71, %swap3A_72] : memref<64x128xf32, #tpu.memory_space<vmem>>, vector<64x128xf32>
    tpu.vector_store %arg11[%swap3A_71, %swap3A_72], %add3A_70 {strides = array<i32>} : memref<64x128xf32, #tpu.memory_space<vmem>>, vector<64x128xf32>,
    %eq3A_74 = arith.constant 9 : i32
    %eq3A_75 = arith.cmpi eq, %arg0, %eq3A_74 : i32
    %convert_element_type3A_76 = arith.extui %eq3A_75 : i1 to i32
    %cond3A_77 = arith.constant 0 : i32
    %cond3A_78 = arith.cmpi ne, %convert_element_type3A_76, %cond3A_77 : i32
    scf.if %cond3A_78 {
      %get3A_79 = arith.constant 0 : index
      %get3A_80 = arith.constant 0 : index
      %get3A_81 = vector.load %arg10[%get3A_79, %get3A_80] : memref<64x128xf32, #tpu.memory_space<vmem>>, vector<64x128xf32>
      %get3A_82 = arith.constant 0 : index
      %get3A_83 = arith.constant 0 : index
      %get3A_84 = vector.load %arg11[%get3A_82, %get3A_83] : memref<64x128xf32, #tpu.memory_space<vmem>>, vector<64x128xf32>
      %max3A_85 = arith.constant 1.000000e+00 : f32
      %max3A_86 = vector.broadcast %max3A_85 : f32 to vector<64x128xf32>
      %max3A_87 = arith.maximumf %get3A_84, %max3A_86 : vector<64x128xf32>
      %div3A_88 = arith.divf %get3A_81, %max3A_87 : vector<64x128xf32>
      %get3A_89 = arith.constant 0 : index
      %get3A_90 = arith.constant 0 : index
      %get3A_91 = vector.load %arg7[%get3A_89, %get3A_90] : memref<10x128xf32, #tpu.memory_space<vmem>>, vector<10x128xf32>
      %dot_general3A_92 = arith.constant dense<0.000000e+00> : vector<64x10xf32>
      %dot_general3A_93 = tpu.matmul %div3A_88, %get3A_91, %dot_general3A_92 {dimension_numbers = #tpu.dot_dimension_numbers<[1], [1], [0], [0], [0, 0, 1, 0], [], []>, transpose_lhs_hint = false} : vector<64x128xf32>, vector<10x128xf32>, vector<64x10xf32> -> vector<64x10xf32>
      %get3A_94 = arith.constant 0 : index
      %get3A_95 = arith.constant 0 : index
      %get3A_96 = vector.load %arg8[%get3A_94, %get3A_95] : memref<1x10xf32, #tpu.memory_space<vmem>>, vector<1x10xf32>
      %add3A_97 = vector.broadcast %get3A_96 : vector<1x10xf32> to vector<64x10xf32>
      %add3A_98 = arith.addf %dot_general3A_93, %add3A_97 : vector<64x10xf32>
      %swap3A_99 = arith.constant 0 : index
      %swap3A_100 = arith.constant 0 : index
      %swap3A_101 = vector.load %arg9[%swap3A_99, %swap3A_100] : memref<64x10xf32, #tpu.memory_space<vmem>>, vector<64x10xf32>
      tpu.vector_store %arg9[%swap3A_99, %swap3A_100], %add3A_98 {strides = array<i32>} : memref<64x10xf32, #tpu.memory_space<vmem>>, vector<64x10xf32>,
    } else {
    }
    return
  }
  func.func @transform_0(%arg0: i32) -> (i32, i32) {
    %c0_i32 = arith.constant 0 : i32
    %c0_i32_0 = arith.constant 0 : i32
    return %arg0, %c0_i32 : i32, i32
  }
  func.func @transform_1(%arg0: i32) -> (i32, i32) {
    %c0_i32 = arith.constant 0 : i32
    %c0_i32_0 = arith.constant 0 : i32
    return %arg0, %c0_i32 : i32, i32
  }
  func.func @transform_2(%arg0: i32) -> (i32, i32, i32) {
    %c0_i32 = arith.constant 0 : i32
    %c0_i32_0 = arith.constant 0 : i32
    %c0_i32_1 = arith.constant 0 : i32
    return %c0_i32, %arg0, %c0_i32_0 : i32, i32, i32
  }
  func.func @transform_3(%arg0: i32) -> (i32, i32, i32) {
    %c0_i32 = arith.constant 0 : i32
    %c0_i32_0 = arith.constant 0 : i32
    %c0_i32_1 = arith.constant 0 : i32
    return %c0_i32, %arg0, %c0_i32_0 : i32, i32, i32
  }
  func.func @transform_4(%arg0: i32) -> (i32, i32) {
    %c0_i32 = arith.constant 0 : i32
    %c0_i32_0 = arith.constant 0 : i32
    %c0_i32_1 = arith.constant 0 : i32
    return %c0_i32, %c0_i32_0 : i32, i32
  }
  func.func @transform_5(%arg0: i32) -> (i32, i32, i32) {
    %c0_i32 = arith.constant 0 : i32
    %c0_i32_0 = arith.constant 0 : i32
    %c0_i32_1 = arith.constant 0 : i32
    return %arg0, %c0_i32, %c0_i32_0 : i32, i32, i32
  }
  func.func @transform_6(%arg0: i32) -> (i32, i32) {
    %c0_i32 = arith.constant 0 : i32
    %c0_i32_0 = arith.constant 0 : i32
    %c0_i32_1 = arith.constant 0 : i32
    return %c0_i32, %c0_i32_0 : i32, i32
  }
  func.func @transform_7(%arg0: i32) -> (i32, i32) {
    %c0_i32 = arith.constant 0 : i32
    %c0_i32_0 = arith.constant 0 : i32
    %c0_i32_1 = arith.constant 0 : i32
    return %c0_i32, %c0_i32_0 : i32, i32
  }
  func.func @transform_8(%arg0: i32) -> (i32, i32) {
    %c0_i32 = arith.constant 0 : i32
    %c0_i32_0 = arith.constant 0 : i32
    %c0_i32_1 = arith.constant 0 : i32
    return %c0_i32, %c0_i32_0 : i32, i32
  }
}

</mosaic_0001>

<sc_bundles>
// kernel: kernel.10.cloned.1.call-start
scs
__scs_entry_jumppad:
0x0: {  	(pc) =	sbr.rel $0x88, $3  }
0x1: {  	(tag) =	ssettag $0x0;
	lr =	simm.s32 $0x1  }
0x2: {  	[smem:$0x3F94] =	sst lr;
	_ =	strace $0xD0000000  }
0x3: {  	_ = 	snop  }
0x4: {  	_ = 	snop  }
0x5: {  	_ = 	snop  }
0x6: {  	_ = 	snop  }
0x7: {  	_ = 	snop  }
__scs_overlays_trampoline_lowered:
0x8: {  	[smem:$0x3FA3] =	sst s0  }
0x9: {  	[smem:$0x3FA4] =	sst s1  }
0xa: {  	[smem:$0x3FA5] =	sst s2  }
0xb: {  	[smem:$0x3FA6] =	sst s3  }
0xc: {  	[smem:$0x3FA7] =	sst s4  }
0xd: {  	[smem:$0x3FA8] =	sst s5  }
0xe: {  	[smem:$0x3FA9] =	sst s6  }
0xf: {  	[smem:$0x3FAA] =	sst s7  }
0x10: {  	[smem:$0x3FAB] =	sst s8  }
0x11: {  	[smem:$0x3FAC] =	sst s9;
	s0 =	simm.s32 @!p0 $0x0  }
0x12: {  	s1 =	sld [smem:$0x3F92];
	s0 =	simm.s32 @p0 $0x1  }
0x13: {  	[smem:$0x3FAD] =	sst s0;
	s0 =	simm.s32 @!p1 $0x0  }
0x14: {  	s2 =	sld [smem:$0x3F91];
	s0 =	simm.s32 @p1 $0x1  }
0x15: {  	[smem:$0x3FAE] =	sst s0;
	s0 =	simm.s32 @!p2 $0x0  }
0x16: {  	s3 =	sld [smem:$0x3FDB];
	s0 =	simm.s32 @p2 $0x1  }
0x17: {  	s4 =	simm.s32 $0x1BF5;
	[smem:$0x3FB0] =	sst s0  }
0x18: {  	s0 =	sld [smem:$0x3F93];
	_ =	swait.ge [sflag:s4], $0x0  }
0x19: {  	s7 =	sld [smem:$0x3F94]  }
0x1a: {  	s8 =	sadd.s32 $0xFFFFE003, lr  }
0x1b: {  	s9 =	sadd.s32 $0xFFFFFEF7, lr;
	s5 =	simm.s32 $0xFFFFFFFF;
	p2 =	slt.u32 s8, $0xFFFFF086  }
0x1c: {  	p1 =	slt.u32 s9, $0xF7A;
	s5 =	simm.s32 @!p2 $0x0  }
0x1d: {  	s5 =	simm.s32 @p1 $0x1;
	p0 =	seq.s32 s7, s2  }
0x1e: {  	s7 =	smul.u32 @!p0 $0xF7A, s2;
	p2 =	seq.s32 @!p0 s5, $0x0  }
0x1f: {  	s9 =	smul.u32 $0xF7A, s1;
	s8 =	simm.s32 @!p0 $0x1BF5;
	p2 =	por !p2, p0  }
0x20: {  	[sflag:s8] =	ssyncset.s32 @!p0 $0xFFFFF086;
	s6 =	sadd.s32 @!p0 s3, s7;
	s7 =	simm.s32 @!p0 $0x108  }
0x21: {  	s3 =	sadd.s32 s3, s9;
	s6 =	sadd.s32 @!p0 $0x88, s6;
	s7 =	simm.s32 @p2 $0x1082  }
0x22: {  	[simem:s7], [sflag:s8] =	dma.local @!p0 [hbm:s6], $0xF7A  }
0x23: {  	s9 =	sor.u32 $0xD0000000, s2;
	s6 =	simm.s32 $0x108;
	_ =	swait.ge @!p0 [sflag:s8], $0x0  }
0x24: {  	s3 =	sadd.s32 $0x88, s3;
	s6 =	simm.s32 @!p1 $0x1082;
	[sflag:s4] =	ssyncset.s32 $0xFFFFF086  }
0x25: {  	[simem:s6], [sflag:s4] =	dma.local [hbm:s3], $0xF7A  }
0x26: {  	[smem:$0x3F94] =	sst s1;
	(tag) =	ssettag s2;
	_ =	strace s9  }
0x27: {  	s1 =	sld [smem:$0x3FA4]  }
0x28: {  	s2 =	sld [smem:$0x3FA5]  }
0x29: {  	s4 =	sld [smem:$0x3FA7]  }
0x2a: {  	p0 =	seq.s32 s5, $0x0;
	s5 =	sld [smem:$0x3FA8]  }
0x2b: {  	s6 =	sld [smem:$0x3FA9]  }
0x2c: {  	s7 =	sld [smem:$0x3FAA]  }
0x2d: {  	s3 =	simm.s32 $0x108;
	s8 =	sld [smem:$0x3FAB]  }
0x2e: {  	s3 =	simm.s32 @!p0 $0x1082;
	s9 =	sld [smem:$0x3FAC]  }
0x2f: {  	lr =	sadd.s32 s0, s3;
	s0 =	sld [smem:$0x3FA3]  }
0x30: {  	s3 =	sld [smem:$0x3FA6]  }
0x31: {  	[smem:$0x3FAF] =	sst s10  }
0x32: {  	s10 =	sld [smem:$0x3FAD];
	_ =	sdelay $0x3  }
0x33: {  	p0 =	seq.s32 s10, $0x1;
	s10 =	sld [smem:$0x3FAF];
	_ =	sdelay $0x3  }
0x34: {  	[smem:$0x3FAF] =	sst s10  }
0x35: {  	s10 =	sld [smem:$0x3FAE];
	_ =	sdelay $0x3  }
0x36: {  	p1 =	seq.s32 s10, $0x1;
	s10 =	sld [smem:$0x3FAF];
	_ =	sdelay $0x3  }
0x37: {  	[smem:$0x3FAF] =	sst s10  }
0x38: {  	s10 =	sld [smem:$0x3FB0]  }
0x39: {  	_ = 	snop;
	(pc) =	sbr.ind lr, $3  }
0x3a: {  	_ = 	snop  }
0x3b: {  	_ = 	snop  }
0x3c: {  	p2 =	seq.s32 s10, $0x1;
	s10 =	sld [smem:$0x3FAF]  }
0x3d: {  	_ =	shalt  }
0x3e: {  	_ =	shalt  }
0x3f: {  	_ =	shalt  }
0x40: {  	_ =	shalt  }
0x41: {  	_ =	shalt  }
0x42: {  	_ =	shalt  }
0x43: {  	_ =	shalt  }
0x44: {  	_ =	shalt  }
0x45: {  	_ =	shalt  }
0x46: {  	_ =	shalt  }
0x47: {  	_ =	shalt  }
0x48: {  	_ =	shalt  }
0x49: {  	_ =	shalt  }
0x4a: {  	_ =	shalt  }
0x4b: {  	_ =	shalt  }
0x4c: {  	_ =	shalt  }
0x4d: {  	_ =	shalt  }
0x4e: {  	_ =	shalt  }
0x4f: {  	_ =	shalt  }
0x50: {  	_ =	shalt  }
0x51: {  	_ =	shalt  }
0x52: {  	_ =	shalt  }
0x53: {  	_ =	shalt  }
0x54: {  	_ =	shalt  }
0x55: {  	_ =	shalt  }
0x56: {  	_ =	shalt  }
0x57: {  	_ =	shalt  }
0x58: {  	_ =	shalt  }
0x59: {  	_ =	shalt  }
0x5a: {  	_ =	shalt  }
0x5b: {  	_ =	shalt  }
0x5c: {  	_ =	shalt  }
0x5d: {  	_ =	shalt  }
0x5e: {  	_ =	shalt  }
0x5f: {  	_ =	shalt  }
0x60: {  	_ =	shalt  }
0x61: {  	_ =	shalt  }
0x62: {  	_ =	shalt  }
0x63: {  	_ =	shalt  }
0x64: {  	_ =	shalt  }
0x65: {  	_ =	shalt  }
0x66: {  	_ =	shalt  }
0x67: {  	_ =	shalt  }
0x68: {  	_ =	shalt  }
0x69: {  	_ =	shalt  }
0x6a: {  	_ =	shalt  }
0x6b: {  	_ =	shalt  }
0x6c: {  	_ =	shalt  }
0x6d: {  	_ =	shalt  }
0x6e: {  	_ =	shalt  }
0x6f: {  	_ =	shalt  }
0x70: {  	_ =	shalt  }
0x71: {  	_ =	shalt  }
0x72: {  	_ =	shalt  }
0x73: {  	_ =	shalt  }
0x74: {  	_ =	shalt  }
0x75: {  	_ =	shalt  }
0x76: {  	_ =	shalt  }
0x77: {  	_ =	shalt  }
0x78: {  	_ =	shalt  }
0x79: {  	_ =	shalt  }
0x7a: {  	_ =	shalt  }
0x7b: {  	_ =	shalt  }
0x7c: {  	_ =	shalt  }
0x7d: {  	_ =	shalt  }
0x7e: {  	_ =	shalt  }
0x7f: {  	_ =	shalt  }
0x80: {  	_ =	shalt  }
0x81: {  	_ =	shalt  }
0x82: {  	_ =	shalt  }
0x83: {  	_ =	shalt  }
0x84: {  	_ =	shalt  }
0x85: {  	_ =	shalt  }
0x86: {  	_ =	shalt  }
0x87: {  	_ =	shalt  }
.Lfunc_end0:
.L_simem_size_0:
called_computation.1_lowered:
.L_overlay_start_0:
0x88: {  	s2 =	sld [smem:$0x3FD9]  }
0x89: {  	s3 =	sld [smem:$0x3FFE];
	_ =	sdelay $0x1  }
0x8a: {  	s1 =	srdreg.scid  }
0x8b: {  	s0 =	sand.u32 $0x1, s1  }
0x8c: {  	s16 =	sshll.u32 s0, $0xA;
	s2 =	sadd.s32 s3, s2  }
0x8d: {  	s2 =	sadd.s32 s2, s16  }
0x8e: {  	[smem:$0x3FBB] =	sst s2  }
0x8f: {  	_ = 	snop  }
0x90: {  	(tm) =	ssettm $0x1  }
0x91: {  	s17 =	sld [smem:$0x3FFB];
	_ =	sdelay $0x3  }
0x92: {  	_ =	strace s17  }
0x93: {  	s2 =	sld [smem:$0x3FFC];
	_ =	sdelay $0x3  }
0x94: {  	_ =	strace s2  }
0x95: {  	s2 =	sld [smem:$0x3FFD];
	_ =	sdelay $0x3  }
0x96: {  	_ =	strace s2  }
0x97: {  	_ =	strace $0x8FFFFFFF  }
0x98: {  	s18 =	sld [smem:$0x3FDB];
	_ =	sdelay $0x1  }
0x99: {  	s19 =	simm.s32 $_scs_section_size  }
0x9a: {  	s4 =	simm.s32 $_size__tile_overlayer_lowered;
	s5 =	simm.s32 $_tile_overlayer_lowered  }
0x9b: {  	s22 =	simm.s32 $0x1BFF;
	s21 =	sshll.u32 s5, $0x1;
	s2 =	sadd.s32 s19, s18  }
0x9c: {  	s6 =	simm.s32 $0x0;
	s20 =	sshll.u32 s4, $0x1;
	s4 =	sadd.s32 s21, s2  }
0x9d: {  	[timem:s6], [sflag:s22] =	dma.local [hbm:s4], s20  }
0x9e: {  	_ =	swait.ge [sflag:s22], s20  }
0x9f: {  	s3 =	ssub.s32 $0x0, s20;
	[sflag:s22] =	ssyncset.done $0x0  }
0xa0: {  	[sflag:s22] =	ssyncadd.s32 s3;
	_ =	sdelay $0x1  }
0xa1: {  	s23 =	simm.s32 $0x1B8B  }
0xa2: {  	_ =	swait.ge [sflag:s23], $0x1  }
0xa3: {  	[sflag:s23] =	ssyncset.done $0x0  }
0xa4: {  	s25 =	simm.s32 $0x1B8E;
	s24 =	sld [smem:$0x3FFE];
	[sflag:s23] =	ssyncadd.s32 $0xFFFFFFFF  }
0xa5: {  	s26 =	simm.s32 $execute0_lowered;
	[smem:$0x3FD2] =	sst s25  }
0xa6: {  	s4 =	sshll.u32 s26, $0x1;
	_ =	strace $0x80000049;
	[dreg:$0x1] =	wrdreg $0xFFFFFFFF  }
0xa7: {  	s28 =	simm.s32 $_size_execute0_lowered;
	s2 =	sadd.s32 s2, s4;
	[dreg:$0x0] =	wrdreg $0x0  }
0xa8: {  	s4 =	sshll.u32 s28, $0x1;
	[dreg:$0x2] =	wrdreg s2  }
0xa9: {  	[dreg:$0x3] =	wrdreg s4  }
0xaa: {  	[dreg:$0x4] =	wrdreg $0xC0  }
0xab: {  	_ =	task [dreg:s6], $0x5FFFF  }
0xac: {  	[dreg:$0x1] =	wrdreg $0xFFFFFFFF  }
0xad: {  	[dreg:$0x0] =	wrdreg $0x60  }
0xae: {  	[dreg:$0x2] =	wrdreg s24  }
0xaf: {  	[dreg:$0x3] =	wrdreg $0x41000  }
0xb0: {  	[dreg:$0x4] =	wrdreg $0x9  }
0xb1: {  	_ =	task.clear_ibuf [dreg:s6], $0x5FFFF;
	_ =	strace $0x90000049  }
0xb2: {  	s29 =	simm.s32 $0x9;
	_ =	strace $0x8000004B  }
0xb3: {  	_ =	swait.ge [sflag:s29], $0x1  }
0xb4: {  	[sflag:s29] =	ssyncadd.s32 $0xFFFFFFFF  }
0xb5: {  	_ =	strace $0x9000004B  }
0xb6: {  	_ =	sfence  }
0xb7: {  	s30 =	sld [smem:$0x0];
	_ =	sdelay $0x2  }
0xb8: {  	s31 =	sshll.u32 s1, $0xD;
	s1 =	sshrl.u32 s1, $0x2  }
0xb9: {  	s3 =	sand.u32 $0x4000, s31;
	s1 =	sadd.s32 s1, s30  }
0xba: {  	s0 =	sor.u32 s3, s0;
	s1 =	sshll.u32 s1, $0x11  }
0xbb: {  	s0 =	sor.u32 s1, s0  }
0xbc: {  	s0 =	sadd.s32 $0x8F2B, s0  }
0xbd: {  	[sflag:s0] =	ssyncadd.remote.s32 $0x1  }
0xbe: {  	_ =	sfence.sel $0xFFFF  }
0xbf: {  	[dreg:$0x0] =	wrdreg $0xFFFFFFFF;
	(pc) =	sbr.abs _section_cstart, $3  }
0xc0: {  	[dreg:$0x1] =	wrdreg $0xFFFFFFFF  }
0xc1: {  	_ =	task.clear_ibuf [dreg:s6], $0x2FFFF;
	_ =	strace $0x9FFFFFFF  }
0xc2: {  	(tm) =	ssettm $0x7FFFFFFF  }
0xc3: {  	_ =	shalt  }
tec
execute0_lowered:
.L_overlay_start_1:
0x0: {  	(tag) =	ssettag $0x1  }
0x1: {  	s5 =	rddreg [dreg:$0x0]  }
0x2: {  	s0 =	srdreg.scid;
	s2 =	rddreg [dreg:$0x1]  }
0x3: {  	s1 =	rddreg [dreg:$0x2];
	s6 =	sand.u32 $0x1, s0  }
0x4: {  	s0 =	stileid.u32;
	s4 =	smul.u32 $0x4F000, s6  }
0x5: {  	s3 =	simm.s32 $0x0;
	s13 =	simm.s32 $0x100;
	s7 =	smul.u32 $0x4F00, s0  }
0x6: {  	s14 =	simm.s32 $0x1;
	[smem:$0x7FF] =	sst s3;
	s8 =	smul.u32 $0x14000, s0  }
0x7: {  	s15 =	simm.s32 $0x0;
	s9 =	smul.u32 $0x140000, s6;
	_ =	strace $0x8000004A  }
0x8: {  	s6 =	ssub.s32 $0x2, s6;
	s28 =	smul.u32 $0x50000, s0;
	s31 =	sshll.u32 s0, $0x6  }
0x9: {  	s29 =	sshrl.u32 s6, $0x1;
	s7 =	sadd.s32 s7, s4;
	s4 =	sadd.s32 $0x16A00, s5  }
0xa: {  	s26 =	sshrl.u32 s8, $0x3;
	s8 =	sadd.s32 s8, s9;
	s11 =	ssub.s32 s6, s29  }
0xb: {  	s30 =	sshrl.u32 s28, $0x2;
	s6 =	sor.u32 $0x1C02, s31;
	s7 =	sshrl.u32 s7, $0x3  }
0xc: {  	s8 =	sshrl.u32 s8, $0x3;
	s10 =	sadd.s32 s7, s5;
	s7 =	sadd.s32 s26, s5  }
0xd: {  	s12 =	sadd.s32 s30, s2;
	s8 =	sadd.s32 s8, s5;
	s5 =	sadd.s32 $0x66A00, s7  }
0xe: {  	s7 =	sadd.s32 $0x8EA00, s8;
	s8 =	smax.u32 s11, $0x1;
	s9 =	sadd.s32 $0x2E00, s10  }
0xf: {  	s10 =	sshrl.u32 s12, $0x3;
	s11 =	simm.s32 $0x2;
	s12 =	simm.s32 $0x80  }
.LBB2_1:
0x10: {  	[spmem:s10], [sflag:s6] =	dma.local [hbm:s5], $0x2800  }
0x11: {  	_ =	swait.ge [sflag:s11], $0x2800  }
0x12: {  	[sflag:s11] =	ssyncset.done $0x0  }
0x13: {  	[sflag:s11] =	ssyncadd.s32 $0xFFFFD800  }
0x14: {  	s16 =	sadd.s32 $0x0, s9;
	[bflag:$0x0] =	sbarrier.arrive $0xFFFF  }
0x15: {  	[tilespmem:s3], [sflag:$0x2] =	stream.linear.gather [hbm4b:s16+s3], $0x80, $0x38;
	[tilespmem:$0x18100] =	vst v63  }
0x16: {  	_ =	swait.ge [sflag:s11], $0x80  }
0x17: {  	[sflag:s11] =	ssyncset.done $0x0  }
0x18: {  	s16 =	sadd.s32 $0x10, s16;
	[sflag:s11] =	ssyncadd.s32 $0xFFFFFF80  }
0x19: {  	[tilespmem:s12], [sflag:$0x2] =	stream.linear.gather [hbm4b:s16+s3], $0x80, $0x38;
	[tilespmem:$0x18100] =	vst v63  }
0x1a: {  	_ =	swait.ge [sflag:s11], $0x80  }
0x1b: {  	[sflag:s11] =	ssyncset.done $0x0  }
0x1c: {  	[sflag:s11] =	ssyncadd.s32 $0xFFFFFF80  }
0x1d: {  	[tilespmem:s13], [sflag:$0x1] =	stream.indirect.gather [hbm4b:s4+s12], $0x80, s12, s12, $0xb8;
	[tilespmem:$0x18100] =	vst v63  }
0x1e: {  	_ =	swait.ge [sflag:s14], $0x4000  }
0x1f: {  	[sflag:s14] =	ssyncset.done $0x0  }
0x20: {  	[sflag:s14] =	ssyncadd.s32 $0xFFFFC000  }
0x21: {  	[spmem:s2] =	stream.indirect.scatter.add.f32 [tilespmem:s13], [sflag:$0x2], $0x80, s3, s12, $0xb8;
	[tilespmem:$0x18100] =	vst v63  }
0x22: {  	_ =	swait.ge [sflag:s11], $0x4000  }
0x23: {  	s17 =	simm.s32 $0x40;
	s16 =	simm.s32 $0x20;
	[sflag:s11] =	ssyncset.done $0x0  }
.LBB2_2:
0x24: {  	s18 =	sadd.s32 s16, s9  }
0x25: {  	[sflag:s11] =	ssyncadd.s32 $0xFFFFC000;
	s16 =	smov.u32 s17;
	s19 =	sadd.s32 $0x20, s17  }
0x26: {  	[tilespmem:s3], [sflag:$0x2] =	stream.linear.gather [hbm4b:s18+s3], $0x80, $0x38;
	[tilespmem:$0x18100] =	vst v63  }
0x27: {  	p0 =	sne.s32 s17, $0x9C0;
	_ =	swait.ge [sflag:s11], $0x80  }
0x28: {  	[sflag:s11] =	ssyncset.done $0x0  }
0x29: {  	s17 =	sadd.s32 $0x10, s18;
	[sflag:s11] =	ssyncadd.s32 $0xFFFFFF80  }
0x2a: {  	[tilespmem:s12], [sflag:$0x2] =	stream.linear.gather [hbm4b:s17+s3], $0x80, $0x38;
	[tilespmem:$0x18100] =	vst v63  }
0x2b: {  	_ =	swait.ge [sflag:s11], $0x80  }
0x2c: {  	[sflag:s11] =	ssyncset.done $0x0  }
0x2d: {  	[sflag:s11] =	ssyncadd.s32 $0xFFFFFF80  }
0x2e: {  	[tilespmem:s13], [sflag:$0x1] =	stream.indirect.gather [hbm4b:s4+s12], $0x80, s12, s12, $0xb8;
	[tilespmem:$0x18100] =	vst v63  }
0x2f: {  	_ =	swait.ge [sflag:s14], $0x4000  }
.Ltmp0:
0x30: {  	[sflag:s14] =	ssyncset.done $0x0;
	(pc) =	sbr.rel @p0 .LBB2_2-.Ltmp0, $4  }
0x31: {  	[sflag:s14] =	ssyncadd.s32 $0xFFFFC000  }
0x32: {  	[spmem:s2] =	stream.indirect.scatter.add.f32 [tilespmem:s13], [sflag:$0x2], $0x80, s3, s12, $0xb8;
	[tilespmem:$0x18100] =	vst v63  }
0x33: {  	_ =	swait.ge [sflag:s11], $0x4000  }
0x34: {  	s17 =	smov.u32 s19;
	[sflag:s11] =	ssyncset.done $0x0  }
0x35: {  	s16 =	sadd.s32 s16, s9;
	[sflag:s11] =	ssyncadd.s32 $0xFFFFC000  }
0x36: {  	[tilespmem:s3], [sflag:$0x2] =	stream.linear.gather [hbm4b:s16+s3], $0x80, $0x38;
	[tilespmem:$0x18100] =	vst v63  }
0x37: {  	_ =	swait.ge [sflag:s11], $0x80  }
0x38: {  	[sflag:s11] =	ssyncset.done $0x0  }
0x39: {  	s16 =	sadd.s32 $0x10, s16;
	[sflag:s11] =	ssyncadd.s32 $0xFFFFFF80  }
0x3a: {  	[tilespmem:s12], [sflag:$0x2] =	stream.linear.gather [hbm4b:s16+s3], $0x80, $0x38;
	[tilespmem:$0x18100] =	vst v63  }
0x3b: {  	_ =	swait.ge [sflag:s11], $0x80  }
0x3c: {  	[sflag:s11] =	ssyncset.done $0x0  }
0x3d: {  	[sflag:s11] =	ssyncadd.s32 $0xFFFFFF80  }
0x3e: {  	[tilespmem:s13], [sflag:$0x1] =	stream.indirect.gather [hbm4b:s4+s12], $0x80, s12, s12, $0xb8;
	[tilespmem:$0x18100] =	vst v63  }
0x3f: {  	_ =	swait.ge [sflag:s14], $0x4000  }
0x40: {  	[sflag:s14] =	ssyncset.done $0x0  }
0x41: {  	[sflag:s14] =	ssyncadd.s32 $0xFFFFC000  }
0x42: {  	[spmem:s2] =	stream.indirect.scatter.add.f32 [tilespmem:s13], [sflag:$0x2], $0x80, s3, s12, $0xb8;
	[tilespmem:$0x18100] =	vst v63  }
0x43: {  	_ =	swait.ge [sflag:s11], $0x4000  }
0x44: {  	s15 =	sadd.s32 $0x1, s15;
	[sflag:s11] =	ssyncset.done $0x0  }
0x45: {  	p0 =	sne.s32 s15, s8;
	[sflag:s11] =	ssyncadd.s32 $0xFFFFC000  }
.Ltmp1:
0x46: {  	[bflag:$0x0] =	sbarrier.arrive $0xFFFF;
	(pc) =	sbr.rel @p0 .LBB2_1-.Ltmp1, $4  }
0x47: {  	[hbm:s7], [sflag:s6] =	dma.local [spmem:s10], $0x2800  }
0x48: {  	_ =	swait.ge [sflag:s11], $0x2800  }
0x49: {  	[sflag:s11] =	ssyncset.done $0x0  }
0x4a: {  	[sflag:s11] =	ssyncadd.s32 $0xFFFFD800  }
0x4b: {  	_ =	sfence.sel $0x180000  }
0x4c: {  	[bflag:$0x0] =	sbarrier.arrive $0xFFFF  }
0x4d: {  	p0 =	sne.s32 s0, $0x0;
	_ =	strace $0x9000004A  }
0x4e: {  	s0 =	sadd.s32 @!p0 $0x100000, s1;
	[bflag:$0x2] =	sbarrier.arrive $0xFFFF  }
0x4f: {  	[sflag:s0] =	ssyncadd.tile.s32 @!p0 $0x1;
	_ =	shalt  }
.Lfunc_end2:
_tile_overlayer_lowered:
.L_overlay_start_2:
0x50: {  	(tag) =	ssettag $0x2  }
0x51: {  	s0 =	rddreg [dreg:$0x0];
	s2 =	stileid.u32  }
0x52: {  	s1 =	rddreg [dreg:$0x1];
	p0 =	sne.s32 s2, $0x0  }
0x53: {  	s3 =	rddreg [dreg:$0x2];
	[bflag:$0x3] =	sbarrier.arrive $0xFFFF;
	s2 =	simm.s32 @!p0 $0x1C02  }
0x54: {  	[timem:s3], [sflag:s2] =	dma.local @!p0 [hbm:s0], s1  }
0x55: {  	s0 =	simm.s32 @!p0 $0x2  }
0x56: {  	_ =	swait.ge @!p0 [sflag:s0], s1  }
0x57: {  	s1 =	ssub.s32 @!p0 $0x0, s1;
	[sflag:s0] =	ssyncset.done @!p0 $0x0  }
0x58: {  	[sflag:s0] =	ssyncadd.s32 @!p0 s1  }
0x59: {  	[bflag:$0x3] =	sbarrier.arrive $0xFFFF  }
0x5a: {  	_ =	shalt  }

// kernel: kernel.7.cloned.1.call-start
scs
__scs_entry_jumppad:
0x0: {  	(pc) =	sbr.rel $0x88, $3  }
0x1: {  	(tag) =	ssettag $0x0;
	lr =	simm.s32 $0x1  }
0x2: {  	[smem:$0x3F94] =	sst lr;
	_ =	strace $0xD0000000  }
0x3: {  	_ = 	snop  }
0x4: {  	_ = 	snop  }
0x5: {  	_ = 	snop  }
0x6: {  	_ = 	snop  }
0x7: {  	_ = 	snop  }
__scs_overlays_trampoline_lowered:
0x8: {  	[smem:$0x3FA3] =	sst s0  }
0x9: {  	[smem:$0x3FA4] =	sst s1  }
0xa: {  	[smem:$0x3FA5] =	sst s2  }
0xb: {  	[smem:$0x3FA6] =	sst s3  }
0xc: {  	[smem:$0x3FA7] =	sst s4  }
0xd: {  	[smem:$0x3FA8] =	sst s5  }
0xe: {  	[smem:$0x3FA9] =	sst s6  }
0xf: {  	[smem:$0x3FAA] =	sst s7  }
0x10: {  	[smem:$0x3FAB] =	sst s8  }
0x11: {  	[smem:$0x3FAC] =	sst s9;
	s0 =	simm.s32 @!p0 $0x0  }
0x12: {  	s1 =	sld [smem:$0x3F92];
	s0 =	simm.s32 @p0 $0x1  }
0x13: {  	[smem:$0x3FAD] =	sst s0;
	s0 =	simm.s32 @!p1 $0x0  }
0x14: {  	s2 =	sld [smem:$0x3F91];
	s0 =	simm.s32 @p1 $0x1  }
0x15: {  	[smem:$0x3FAE] =	sst s0;
	s0 =	simm.s32 @!p2 $0x0  }
0x16: {  	s3 =	sld [smem:$0x3FDB];
	s0 =	simm.s32 @p2 $0x1  }
0x17: {  	s4 =	simm.s32 $0x1BF5;
	[smem:$0x3FB0] =	sst s0  }
0x18: {  	s0 =	sld [smem:$0x3F93];
	_ =	swait.ge [sflag:s4], $0x0  }
0x19: {  	s7 =	sld [smem:$0x3F94]  }
0x1a: {  	s8 =	sadd.s32 $0xFFFFE003, lr  }
0x1b: {  	s9 =	sadd.s32 $0xFFFFFEF7, lr;
	s5 =	simm.s32 $0xFFFFFFFF;
	p2 =	slt.u32 s8, $0xFFFFF086  }
0x1c: {  	p1 =	slt.u32 s9, $0xF7A;
	s5 =	simm.s32 @!p2 $0x0  }
0x1d: {  	s5 =	simm.s32 @p1 $0x1;
	p0 =	seq.s32 s7, s2  }
0x1e: {  	s7 =	smul.u32 @!p0 $0xF7A, s2;
	p2 =	seq.s32 @!p0 s5, $0x0  }
0x1f: {  	s9 =	smul.u32 $0xF7A, s1;
	s8 =	simm.s32 @!p0 $0x1BF5;
	p2 =	por !p2, p0  }
0x20: {  	[sflag:s8] =	ssyncset.s32 @!p0 $0xFFFFF086;
	s6 =	sadd.s32 @!p0 s3, s7;
	s7 =	simm.s32 @!p0 $0x108  }
0x21: {  	s3 =	sadd.s32 s3, s9;
	s6 =	sadd.s32 @!p0 $0x88, s6;
	s7 =	simm.s32 @p2 $0x1082  }
0x22: {  	[simem:s7], [sflag:s8] =	dma.local @!p0 [hbm:s6], $0xF7A  }
0x23: {  	s9 =	sor.u32 $0xD0000000, s2;
	s6 =	simm.s32 $0x108;
	_ =	swait.ge @!p0 [sflag:s8], $0x0  }
0x24: {  	s3 =	sadd.s32 $0x88, s3;
	s6 =	simm.s32 @!p1 $0x1082;
	[sflag:s4] =	ssyncset.s32 $0xFFFFF086  }
0x25: {  	[simem:s6], [sflag:s4] =	dma.local [hbm:s3], $0xF7A  }
0x26: {  	[smem:$0x3F94] =	sst s1;
	(tag) =	ssettag s2;
	_ =	strace s9  }
0x27: {  	s1 =	sld [smem:$0x3FA4]  }
0x28: {  	s2 =	sld [smem:$0x3FA5]  }
0x29: {  	s4 =	sld [smem:$0x3FA7]  }
0x2a: {  	p0 =	seq.s32 s5, $0x0;
	s5 =	sld [smem:$0x3FA8]  }
0x2b: {  	s6 =	sld [smem:$0x3FA9]  }
0x2c: {  	s7 =	sld [smem:$0x3FAA]  }
0x2d: {  	s3 =	simm.s32 $0x108;
	s8 =	sld [smem:$0x3FAB]  }
0x2e: {  	s3 =	simm.s32 @!p0 $0x1082;
	s9 =	sld [smem:$0x3FAC]  }
0x2f: {  	lr =	sadd.s32 s0, s3;
	s0 =	sld [smem:$0x3FA3]  }
0x30: {  	s3 =	sld [smem:$0x3FA6]  }
0x31: {  	[smem:$0x3FAF] =	sst s10  }
0x32: {  	s10 =	sld [smem:$0x3FAD];
	_ =	sdelay $0x3  }
0x33: {  	p0 =	seq.s32 s10, $0x1;
	s10 =	sld [smem:$0x3FAF];
	_ =	sdelay $0x3  }
0x34: {  	[smem:$0x3FAF] =	sst s10  }
0x35: {  	s10 =	sld [smem:$0x3FAE];
	_ =	sdelay $0x3  }
0x36: {  	p1 =	seq.s32 s10, $0x1;
	s10 =	sld [smem:$0x3FAF];
	_ =	sdelay $0x3  }
0x37: {  	[smem:$0x3FAF] =	sst s10  }
0x38: {  	s10 =	sld [smem:$0x3FB0]  }
0x39: {  	_ = 	snop;
	(pc) =	sbr.ind lr, $3  }
0x3a: {  	_ = 	snop  }
0x3b: {  	_ = 	snop  }
0x3c: {  	p2 =	seq.s32 s10, $0x1;
	s10 =	sld [smem:$0x3FAF]  }
0x3d: {  	_ =	shalt  }
0x3e: {  	_ =	shalt  }
0x3f: {  	_ =	shalt  }
0x40: {  	_ =	shalt  }
0x41: {  	_ =	shalt  }
0x42: {  	_ =	shalt  }
0x43: {  	_ =	shalt  }
0x44: {  	_ =	shalt  }
0x45: {  	_ =	shalt  }
0x46: {  	_ =	shalt  }
0x47: {  	_ =	shalt  }
0x48: {  	_ =	shalt  }
0x49: {  	_ =	shalt  }
0x4a: {  	_ =	shalt  }
0x4b: {  	_ =	shalt  }
0x4c: {  	_ =	shalt  }
0x4d: {  	_ =	shalt  }
0x4e: {  	_ =	shalt  }
0x4f: {  	_ =	shalt  }
0x50: {  	_ =	shalt  }
0x51: {  	_ =	shalt  }
0x52: {  	_ =	shalt  }
0x53: {  	_ =	shalt  }
0x54: {  	_ =	shalt  }
0x55: {  	_ =	shalt  }
0x56: {  	_ =	shalt  }
0x57: {  	_ =	shalt  }
0x58: {  	_ =	shalt  }
0x59: {  	_ =	shalt  }
0x5a: {  	_ =	shalt  }
0x5b: {  	_ =	shalt  }
0x5c: {  	_ =	shalt  }
0x5d: {  	_ =	shalt  }
0x5e: {  	_ =	shalt  }
0x5f: {  	_ =	shalt  }
0x60: {  	_ =	shalt  }
0x61: {  	_ =	shalt  }
0x62: {  	_ =	shalt  }
0x63: {  	_ =	shalt  }
0x64: {  	_ =	shalt  }
0x65: {  	_ =	shalt  }
0x66: {  	_ =	shalt  }
0x67: {  	_ =	shalt  }
0x68: {  	_ =	shalt  }
0x69: {  	_ =	shalt  }
0x6a: {  	_ =	shalt  }
0x6b: {  	_ =	shalt  }
0x6c: {  	_ =	shalt  }
0x6d: {  	_ =	shalt  }
0x6e: {  	_ =	shalt  }
0x6f: {  	_ =	shalt  }
0x70: {  	_ =	shalt  }
0x71: {  	_ =	shalt  }
0x72: {  	_ =	shalt  }
0x73: {  	_ =	shalt  }
0x74: {  	_ =	shalt  }
0x75: {  	_ =	shalt  }
0x76: {  	_ =	shalt  }
0x77: {  	_ =	shalt  }
0x78: {  	_ =	shalt  }
0x79: {  	_ =	shalt  }
0x7a: {  	_ =	shalt  }
0x7b: {  	_ =	shalt  }
0x7c: {  	_ =	shalt  }
0x7d: {  	_ =	shalt  }
0x7e: {  	_ =	shalt  }
0x7f: {  	_ =	shalt  }
0x80: {  	_ =	shalt  }
0x81: {  	_ =	shalt  }
0x82: {  	_ =	shalt  }
0x83: {  	_ =	shalt  }
0x84: {  	_ =	shalt  }
0x85: {  	_ =	shalt  }
0x86: {  	_ =	shalt  }
0x87: {  	_ =	shalt  }
.Lfunc_end0:
.L_simem_size_0:
called_computation_lowered:
.L_overlay_start_0:
0x88: {  	s2 =	sld [smem:$0x3FD9]  }
0x89: {  	s3 =	sld [smem:$0x3FFE];
	_ =	sdelay $0x1  }
0x8a: {  	s1 =	srdreg.scid  }
0x8b: {  	s0 =	sand.u32 $0x1, s1  }
0x8c: {  	s16 =	sshll.u32 s0, $0xA;
	s2 =	sadd.s32 s3, s2  }
0x8d: {  	s2 =	sadd.s32 s2, s16  }
0x8e: {  	[smem:$0x3FBB] =	sst s2  }
0x8f: {  	_ = 	snop  }
0x90: {  	(tm) =	ssettm $0x1  }
0x91: {  	s17 =	sld [smem:$0x3FFB];
	_ =	sdelay $0x3  }
0x92: {  	_ =	strace s17  }
0x93: {  	s2 =	sld [smem:$0x3FFC];
	_ =	sdelay $0x3  }
0x94: {  	_ =	strace s2  }
0x95: {  	s2 =	sld [smem:$0x3FFD];
	_ =	sdelay $0x3  }
0x96: {  	_ =	strace s2  }
0x97: {  	_ =	strace $0x8FFFFFFF  }
0x98: {  	s18 =	sld [smem:$0x3FDB];
	_ =	sdelay $0x1  }
0x99: {  	s19 =	simm.s32 $_scs_section_size  }
0x9a: {  	s4 =	simm.s32 $_size__tile_overlayer_lowered;
	s5 =	simm.s32 $_tile_overlayer_lowered  }
0x9b: {  	s22 =	simm.s32 $0x1BFF;
	s21 =	sshll.u32 s5, $0x1;
	s2 =	sadd.s32 s19, s18  }
0x9c: {  	s6 =	simm.s32 $0x0;
	s20 =	sshll.u32 s4, $0x1;
	s4 =	sadd.s32 s21, s2  }
0x9d: {  	[timem:s6], [sflag:s22] =	dma.local [hbm:s4], s20  }
0x9e: {  	_ =	swait.ge [sflag:s22], s20  }
0x9f: {  	s3 =	ssub.s32 $0x0, s20;
	[sflag:s22] =	ssyncset.done $0x0  }
0xa0: {  	[sflag:s22] =	ssyncadd.s32 s3;
	_ =	sdelay $0x1  }
0xa1: {  	s23 =	simm.s32 $0x1B8B  }
0xa2: {  	_ =	swait.ge [sflag:s23], $0x1  }
0xa3: {  	[sflag:s23] =	ssyncset.done $0x0  }
0xa4: {  	s25 =	simm.s32 $0x1B8E;
	s24 =	sld [smem:$0x3FFE];
	[sflag:s23] =	ssyncadd.s32 $0xFFFFFFFF  }
0xa5: {  	s26 =	simm.s32 $execute0_lowered;
	[smem:$0x3FD2] =	sst s25  }
0xa6: {  	s4 =	sshll.u32 s26, $0x1;
	_ =	strace $0x80000046;
	[dreg:$0x1] =	wrdreg $0xFFFFFFFF  }
0xa7: {  	s28 =	simm.s32 $_size_execute0_lowered;
	s2 =	sadd.s32 s2, s4;
	[dreg:$0x0] =	wrdreg $0x0  }
0xa8: {  	s4 =	sshll.u32 s28, $0x1;
	[dreg:$0x2] =	wrdreg s2  }
0xa9: {  	[dreg:$0x3] =	wrdreg s4  }
0xaa: {  	[dreg:$0x4] =	wrdreg $0xC0  }
0xab: {  	_ =	task [dreg:s6], $0x5FFFF  }
0xac: {  	[dreg:$0x1] =	wrdreg $0xFFFFFFFF  }
0xad: {  	[dreg:$0x0] =	wrdreg $0x60  }
0xae: {  	[dreg:$0x2] =	wrdreg s24  }
0xaf: {  	[dreg:$0x3] =	wrdreg $0x41800  }
0xb0: {  	[dreg:$0x4] =	wrdreg $0x181800  }
0xb1: {  	[dreg:$0x5] =	wrdreg $0x9  }
0xb2: {  	_ =	task.clear_ibuf [dreg:s6], $0x6FFFF;
	_ =	strace $0x90000046  }
0xb3: {  	s29 =	simm.s32 $0x9;
	_ =	strace $0x80000048  }
0xb4: {  	_ =	swait.ge [sflag:s29], $0x1  }
0xb5: {  	[sflag:s29] =	ssyncadd.s32 $0xFFFFFFFF  }
0xb6: {  	_ =	strace $0x90000048  }
0xb7: {  	_ =	sfence  }
0xb8: {  	s30 =	sld [smem:$0x0];
	_ =	sdelay $0x2  }
0xb9: {  	s31 =	sshll.u32 s1, $0xD;
	s1 =	sshrl.u32 s1, $0x2  }
0xba: {  	s3 =	sand.u32 $0x4000, s31;
	s1 =	sadd.s32 s1, s30  }
0xbb: {  	s0 =	sor.u32 s3, s0;
	s1 =	sshll.u32 s1, $0x11  }
0xbc: {  	s0 =	sor.u32 s1, s0  }
0xbd: {  	s0 =	sadd.s32 $0x8F2B, s0  }
0xbe: {  	[sflag:s0] =	ssyncadd.remote.s32 $0x1  }
0xbf: {  	_ =	sfence.sel $0xFFFF  }
0xc0: {  	[dreg:$0x0] =	wrdreg $0xFFFFFFFF;
	(pc) =	sbr.abs _section_cstart, $3  }
0xc1: {  	[dreg:$0x1] =	wrdreg $0xFFFFFFFF  }
0xc2: {  	_ =	task.clear_ibuf [dreg:s6], $0x2FFFF;
	_ =	strace $0x9FFFFFFF  }
0xc3: {  	(tm) =	ssettm $0x7FFFFFFF  }
tec
execute0_lowered:
.L_overlay_start_1:
0x0: {  	(tag) =	ssettag $0x1  }
0x1: {  	s6 =	rddreg [dreg:$0x0]  }
0x2: {  	s2 =	rddreg [dreg:$0x1];
	s0 =	srdreg.scid  }
0x3: {  	s3 =	rddreg [dreg:$0x2];
	s1 =	stileid.u32  }
0x4: {  	s4 =	simm.s32 $0x0;
	s17 =	simm.s32 $0x100;
	s8 =	smul.u32 $0x4F00, s1  }
0x5: {  	s18 =	simm.s32 $0x1;
	s19 =	simm.s32 $0x4100;
	s9 =	smul.u32 $0x14000, s1  }
0x6: {  	s20 =	simm.s32 $0x20;
	s21 =	simm.s32 $0x10;
	s10 =	smul.u32 $0x280, s1  }
0x7: {  	s7 =	sand.u32 $0x1, s0;
	s0 =	rddreg [dreg:$0x3];
	s14 =	smul.u32 $0x500, s1  }
0x8: {  	s22 =	simm.s32 $0x0;
	[smem:$0x7FF] =	sst s4;
	s29 =	smul.u32 $0x50000, s1  }
0x9: {  	s31 =	sshll.u32 s1, $0x6;
	s5 =	smul.u32 $0x4F000, s7;
	_ =	strace $0x80000047  }
0xa: {  	s11 =	smul.u32 $0x140000, s7;
	s28 =	sshll.u32 s7, $0x7;
	s7 =	ssub.s32 $0x2, s7  }
0xb: {  	s26 =	sshrl.u32 s9, $0x3;
	s13 =	sshrl.u32 s10, $0x3;
	s30 =	sshrl.u32 s7, $0x1  }
0xc: {  	s16 =	sadd.s32 s10, s3;
	s8 =	sadd.s32 s8, s5;
	s5 =	sadd.s32 $0x3EA00, s6  }
0xd: {  	s13 =	sadd.s32 s13, s6;
	s9 =	sadd.s32 s9, s11;
	s11 =	sor.u32 s28, s14  }
0xe: {  	s14 =	sshrl.u32 s29, $0x2;
	s15 =	ssub.s32 s7, s30;
	s7 =	sor.u32 $0x1C02, s31  }
0xf: {  	s8 =	sshrl.u32 s8, $0x3;
	s9 =	sshrl.u32 s9, $0x3;
	s11 =	sshrl.u32 s11, $0x3  }
0x10: {  	s14 =	sadd.s32 s14, s2;
	s12 =	sadd.s32 s8, s6;
	s8 =	sadd.s32 s26, s6  }
0x11: {  	s9 =	sadd.s32 s9, s6;
	s11 =	sadd.s32 s11, s6;
	s6 =	sadd.s32 $0x66A00, s8  }
0x12: {  	s8 =	sadd.s32 $0x8EA00, s13;
	s9 =	sadd.s32 $0x8FA00, s9;
	s10 =	sadd.s32 $0x8F000, s11  }
0x13: {  	s11 =	smax.u32 s15, $0x1;
	s12 =	sadd.s32 $0x2E00, s12;
	s13 =	sshrl.u32 s14, $0x3  }
0x14: {  	v0 =	vimm.f32 $1.000000000e+00;
	s14 =	simm.s32 $0x2;
	s15 =	sshrl.u32 s16, $0x3;
	s16 =	simm.s32 $0x80  }
.LBB2_1:
0x15: {  	[spmem:s13], [sflag:s7] =	dma.local [hbm:s6], $0x2800  }
0x16: {  	_ =	swait.ge [sflag:s14], $0x2800  }
0x17: {  	[sflag:s14] =	ssyncset.done $0x0  }
0x18: {  	[sflag:s14] =	ssyncadd.s32 $0xFFFFD800  }
0x19: {  	[spmem:s15], [sflag:s7] =	dma.local [hbm:s8], $0x50  }
0x1a: {  	_ =	swait.ge [sflag:s14], $0x50  }
0x1b: {  	[sflag:s14] =	ssyncset.done $0x0  }
0x1c: {  	[sflag:s14] =	ssyncadd.s32 $0xFFFFFFB0  }
0x1d: {  	[tilespmem:$0x4100] =	vst v0  }
0x1e: {  	[tilespmem:$0x4110] =	vst v0  }
0x1f: {  	[tilespmem:$0x4120] =	vst v0  }
0x20: {  	[tilespmem:$0x4130] =	vst v0  }
0x21: {  	[tilespmem:$0x4140] =	vst v0  }
0x22: {  	[tilespmem:$0x4150] =	vst v0  }
0x23: {  	[tilespmem:$0x4160] =	vst v0  }
0x24: {  	[tilespmem:$0x4170] =	vst v0  }
0x25: {  	s23 =	sadd.s32 $0x0, s12;
	[bflag:$0x0] =	sbarrier.arrive $0xFFFF  }
0x26: {  	[tilespmem:s4], [sflag:$0x2] =	stream.linear.gather [hbm4b:s23+s4], $0x80, $0x38;
	[tilespmem:$0x18400] =	vst v63  }
0x27: {  	_ =	swait.ge [sflag:s14], $0x80  }
0x28: {  	[sflag:s14] =	ssyncset.done $0x0  }
0x29: {  	s23 =	sadd.s32 $0x10, s23;
	[sflag:s14] =	ssyncadd.s32 $0xFFFFFF80  }
0x2a: {  	[tilespmem:s16], [sflag:$0x2] =	stream.linear.gather [hbm4b:s23+s4], $0x80, $0x38;
	[tilespmem:$0x18400] =	vst v63  }
0x2b: {  	_ =	swait.ge [sflag:s14], $0x80  }
0x2c: {  	[sflag:s14] =	ssyncset.done $0x0  }
0x2d: {  	[sflag:s14] =	ssyncadd.s32 $0xFFFFFF80  }
0x2e: {  	[tilespmem:s17], [sflag:$0x1] =	stream.indirect.gather [hbm4b:s5+s16], $0x80, s16, s16, $0xb8;
	[tilespmem:$0x18400] =	vst v63  }
0x2f: {  	_ =	swait.ge [sflag:s18], $0x4000  }
0x30: {  	[sflag:s18] =	ssyncset.done $0x0  }
0x31: {  	[sflag:s18] =	ssyncadd.s32 $0xFFFFC000  }
0x32: {  	[spmem:s2] =	stream.indirect.scatter.add.f32 [tilespmem:s17], [sflag:$0x2], $0x80, s4, s16, $0xb8;
	[tilespmem:$0x18400] =	vst v63  }
0x33: {  	_ =	swait.ge [sflag:s14], $0x4000  }
0x34: {  	[sflag:s14] =	ssyncset.done $0x0  }
0x35: {  	[sflag:s14] =	ssyncadd.s32 $0xFFFFC000  }
0x36: {  	[spmem:s3] =	stream.indirect.scatter.add.f32 [tilespmem:s19], [sflag:$0x2], $0x1, s4, s16, $0xb8;
	[tilespmem:$0x18400] =	vst v63  }
0x37: {  	_ =	swait.ge [sflag:s14], $0x80  }
0x38: {  	s24 =	simm.s32 $0x40;
	s23 =	simm.s32 $0x20;
	[sflag:s14] =	ssyncset.done $0x0  }
.LBB2_2:
0x39: {  	s25 =	sadd.s32 s23, s12  }
0x3a: {  	[sflag:s14] =	ssyncadd.s32 $0xFFFFFF80;
	s23 =	smov.u32 s24;
	s26 =	sadd.s32 $0x20, s24  }
0x3b: {  	[tilespmem:s4], [sflag:$0x2] =	stream.linear.gather [hbm4b:s25+s4], $0x80, $0x38;
	[tilespmem:$0x18400] =	vst v63  }
0x3c: {  	p0 =	sne.s32 s24, $0x9C0;
	_ =	swait.ge [sflag:s14], $0x80  }
0x3d: {  	[sflag:s14] =	ssyncset.done $0x0  }
0x3e: {  	s24 =	sadd.s32 $0x10, s25;
	[sflag:s14] =	ssyncadd.s32 $0xFFFFFF80  }
0x3f: {  	[tilespmem:s16], [sflag:$0x2] =	stream.linear.gather [hbm4b:s24+s4], $0x80, $0x38;
	[tilespmem:$0x18400] =	vst v63  }
0x40: {  	_ =	swait.ge [sflag:s14], $0x80  }
0x41: {  	[sflag:s14] =	ssyncset.done $0x0  }
0x42: {  	[sflag:s14] =	ssyncadd.s32 $0xFFFFFF80  }
0x43: {  	[tilespmem:s17], [sflag:$0x1] =	stream.indirect.gather [hbm4b:s5+s16], $0x80, s16, s16, $0xb8;
	[tilespmem:$0x18400] =	vst v63  }
0x44: {  	_ =	swait.ge [sflag:s18], $0x4000  }
0x45: {  	[sflag:s18] =	ssyncset.done $0x0  }
0x46: {  	[sflag:s18] =	ssyncadd.s32 $0xFFFFC000  }
0x47: {  	[spmem:s2] =	stream.indirect.scatter.add.f32 [tilespmem:s17], [sflag:$0x2], $0x80, s4, s16, $0xb8;
	[tilespmem:$0x18400] =	vst v63  }
0x48: {  	_ =	swait.ge [sflag:s14], $0x4000  }
.Ltmp0:
0x49: {  	[sflag:s14] =	ssyncset.done $0x0;
	(pc) =	sbr.rel @p0 .LBB2_2-.Ltmp0, $4  }
0x4a: {  	[sflag:s14] =	ssyncadd.s32 $0xFFFFC000  }
0x4b: {  	[spmem:s3] =	stream.indirect.scatter.add.f32 [tilespmem:s19], [sflag:$0x2], $0x1, s4, s16, $0xb8;
	[tilespmem:$0x18400] =	vst v63  }
0x4c: {  	_ =	swait.ge [sflag:s14], $0x80  }
0x4d: {  	s24 =	smov.u32 s26;
	[sflag:s14] =	ssyncset.done $0x0  }
0x4e: {  	s23 =	sadd.s32 s23, s12;
	[sflag:s14] =	ssyncadd.s32 $0xFFFFFF80  }
0x4f: {  	[tilespmem:s4], [sflag:$0x2] =	stream.linear.gather [hbm4b:s23+s4], $0x80, $0x38;
	[tilespmem:$0x18400] =	vst v63  }
0x50: {  	_ =	swait.ge [sflag:s14], $0x80  }
0x51: {  	[sflag:s14] =	ssyncset.done $0x0  }
0x52: {  	s23 =	sadd.s32 $0x10, s23;
	[sflag:s14] =	ssyncadd.s32 $0xFFFFFF80  }
0x53: {  	[tilespmem:s16], [sflag:$0x2] =	stream.linear.gather [hbm4b:s23+s4], $0x80, $0x38;
	[tilespmem:$0x18400] =	vst v63  }
0x54: {  	_ =	swait.ge [sflag:s14], $0x80  }
0x55: {  	[sflag:s14] =	ssyncset.done $0x0  }
0x56: {  	[sflag:s14] =	ssyncadd.s32 $0xFFFFFF80  }
0x57: {  	[tilespmem:s17], [sflag:$0x1] =	stream.indirect.gather [hbm4b:s5+s16], $0x80, s16, s16, $0xb8;
	[tilespmem:$0x18400] =	vst v63  }
0x58: {  	_ =	swait.ge [sflag:s18], $0x4000  }
0x59: {  	[sflag:s18] =	ssyncset.done $0x0  }
0x5a: {  	[sflag:s18] =	ssyncadd.s32 $0xFFFFC000  }
0x5b: {  	[spmem:s2] =	stream.indirect.scatter.add.f32 [tilespmem:s17], [sflag:$0x2], $0x80, s4, s16, $0xb8;
	[tilespmem:$0x18400] =	vst v63  }
0x5c: {  	_ =	swait.ge [sflag:s14], $0x4000  }
0x5d: {  	[sflag:s14] =	ssyncset.done $0x0  }
0x5e: {  	[sflag:s14] =	ssyncadd.s32 $0xFFFFC000  }
0x5f: {  	[spmem:s3] =	stream.indirect.scatter.add.f32 [tilespmem:s19], [sflag:$0x2], $0x1, s4, s16, $0xb8;
	[tilespmem:$0x18400] =	vst v63  }
0x60: {  	_ =	swait.ge [sflag:s14], $0x80  }
0x61: {  	[sflag:s14] =	ssyncset.done $0x0  }
0x62: {  	[sflag:s14] =	ssyncadd.s32 $0xFFFFFF80  }
0x63: {  	[bflag:$0x0] =	sbarrier.arrive $0xFFFF  }
0x64: {  	[hbm:s9], [sflag:s7] =	dma.local [spmem:s13], $0x2800  }
0x65: {  	s22 =	sadd.s32 $0x1, s22;
	_ =	swait.ge [sflag:s14], $0x2800  }
0x66: {  	p0 =	sne.s32 s22, s11;
	[sflag:s14] =	ssyncset.done $0x0  }
.Ltmp1:
0x67: {  	[sflag:s14] =	ssyncadd.s32 $0xFFFFD800;
	(pc) =	sbr.rel @p0 .LBB2_1-.Ltmp1, $4  }
0x68: {  	[hbm:s10@s20], [sflag:s7] =	dma.strided [spmem:s15@s21], $0x50, s18, $0x10   }
0x69: {  	_ =	swait.ge [sflag:s14], $0x50  }
0x6a: {  	[sflag:s14] =	ssyncset.done $0x0  }
0x6b: {  	[sflag:s14] =	ssyncadd.s32 $0xFFFFFFB0  }
0x6c: {  	_ =	sfence.sel $0x180000  }
0x6d: {  	[bflag:$0x0] =	sbarrier.arrive $0xFFFF  }
0x6e: {  	p0 =	sne.s32 s1, $0x0;
	_ =	strace $0x90000047  }
0x6f: {  	s0 =	sadd.s32 @!p0 $0x100000, s0;
	[bflag:$0x2] =	sbarrier.arrive $0xFFFF  }
0x70: {  	[sflag:s0] =	ssyncadd.tile.s32 @!p0 $0x1;
	_ =	shalt  }
.Lfunc_end2:
_tile_overlayer_lowered:
.L_overlay_start_2:
0x71: {  	(tag) =	ssettag $0x2  }
0x72: {  	s0 =	rddreg [dreg:$0x0];
	s2 =	stileid.u32  }
0x73: {  	s1 =	rddreg [dreg:$0x1];
	p0 =	sne.s32 s2, $0x0  }
0x74: {  	s3 =	rddreg [dreg:$0x2];
	[bflag:$0x3] =	sbarrier.arrive $0xFFFF;
	s2 =	simm.s32 @!p0 $0x1C02  }
0x75: {  	[timem:s3], [sflag:s2] =	dma.local @!p0 [hbm:s0], s1  }
0x76: {  	s0 =	simm.s32 @!p0 $0x2  }
0x77: {  	_ =	swait.ge @!p0 [sflag:s0], s1  }
0x78: {  	s1 =	ssub.s32 @!p0 $0x0, s1;
	[sflag:s0] =	ssyncset.done @!p0 $0x0  }
0x79: {  	[sflag:s0] =	ssyncadd.s32 @!p0 s1  }
0x7a: {  	[bflag:$0x3] =	sbarrier.arrive $0xFFFF  }
0x7b: {  	_ =	shalt  }

</sc_bundles>
